<compile_context>
chip_gen: v7x
topology: tpu7x:2x2x1
jax: 0.10.2.dev20260603
libtpu: 0.0.44.dev20260713+nightly
codegen_flags: <defaults>
</compile_context>

<pallas_src>
import jax
import jax.numpy as jnp
from jax import lax
from jax.experimental import pallas as pl
from jax.experimental.pallas import tpu as pltpu
from jax.experimental.pallas import tpu_sc as plsc

BATCH = 1024
SEQ = 200
EMBED_DIM = 64
PAD_DIM = 128
NUM_CORES = 2
NUM_SUBCORES = 16
NUM_WORKERS = NUM_CORES * NUM_SUBCORES
SEQ_PER_WORKER = BATCH // NUM_WORKERS
LANES = 16
VECS_PER_ROW = EMBED_DIM // LANES

CHUNK_SEQS = 2
ROWS = CHUNK_SEQS * SEQ
NSTEPS = SEQ_PER_WORKER // CHUNK_SEQS

_GATHER_PIECES = []
_off = 0
while _off < SEQ:
    _n = min(128, SEQ - _off)
    _GATHER_PIECES.append((_off, _n))
    _off += _n

_TP_BW = 8192
_TP_NBLK = 62
_TP_ROWS = _TP_BW * _TP_NBLK
_TP_SPLIT = _TP_BW * (_TP_NBLK - 1)


def _tp_body(lo_ref, hi_ref, dst_ref):
    dst_ref[:, 0:EMBED_DIM] = lo_ref[...].T
    dst_ref[:, EMBED_DIM:PAD_DIM] = hi_ref[...].T


def _transpose_table(tok_table):
    d = tok_table.shape[1]
    tok_t = tok_table.T
    return pl.pallas_call(
        _tp_body,
        grid=(_TP_NBLK,),
        in_specs=[
            pl.BlockSpec((d, _TP_BW), lambda i: (0, i)),
            pl.BlockSpec((d, _TP_BW), lambda i: (0, i + _TP_NBLK - 1)),
        ],
        out_specs=pl.BlockSpec((_TP_BW, PAD_DIM), lambda i: (i, 0)),
        out_shape=jax.ShapeDtypeStruct((_TP_ROWS, PAD_DIM), jnp.float32),
    )(tok_t, tok_t)


def _emb_body(x_hbm, tok_hbm, pos_hbm, out_hbm,
              idx_v, pos_v, rows0, rows1,
              gsem0, gsem1, ssem0, ssem1):
    rows = [rows0, rows1]
    gsem = [gsem0, gsem1]
    ssem = [ssem0, ssem1]

    wid = lax.axis_index("s") * NUM_CORES + lax.axis_index("c")
    base_seq = wid * SEQ_PER_WORKER
    base_el = base_seq * SEQ

    pltpu.sync_copy(x_hbm.at[pl.ds(base_seq, SEQ_PER_WORKER)], idx_v)
    for c in range(CHUNK_SEQS):
        pltpu.sync_copy(pos_hbm, pos_v.at[pl.ds(c * SEQ, SEQ)])

    def start_gathers(step, b):
        for c in range(CHUNK_SEQS):
            seq_local = step * CHUNK_SEQS + c
            for off, n in _GATHER_PIECES:
                pltpu.async_copy(
                    tok_hbm.at[idx_v.at[seq_local, pl.ds(off, n)]],
                    rows[b].at[pl.ds(c * SEQ + off, n)],
                    gsem[b],
                )

    def wait_gathers(b):
        pltpu.make_async_copy(
            tok_hbm.at[pl.ds(0, ROWS)], rows[b], gsem[b]
        ).wait()

    def wait_store(b):
        pltpu.make_async_copy(
            rows[b],
            out_hbm.at[pl.ds(0, ROWS), pl.ds(0, EMBED_DIM)],
            ssem[b],
        ).wait()

    start_gathers(0, 0)

    @pl.loop(0, NSTEPS, step=2)
    def _steps(i0):
        for b in range(2):
            i = i0 + b
            nb = 1 - b

            @pl.when(i >= 1)
            def _():
                wait_store(nb)

            @pl.when(i + 1 < NSTEPS)
            def _():
                start_gathers(i + 1, nb)

            wait_gathers(b)

            @pl.loop(0, ROWS, unroll=8)
            def _row_loop(r):
                for j in range(VECS_PER_ROW):
                    sl = pl.ds(j * LANES, LANES)
                    rows[b][r, sl] = rows[b][r, sl] + pos_v[r, sl]

            pltpu.async_copy(
                rows[b],
                out_hbm.at[pl.ds(base_el + i * ROWS, ROWS), pl.ds(0, EMBED_DIM)],
                ssem[b],
            )

    wait_store((NSTEPS - 1) % 2)


def kernel(x, tok_table, pos_table):
    batch, seq = x.shape
    tok_packed = _transpose_table(tok_table)
    tok_rows = tok_packed.reshape(2 * _TP_ROWS, EMBED_DIM)
    x2 = jnp.where(x < _TP_SPLIT, x * 2, (x - _TP_SPLIT) * 2 + 1)

    mesh = plsc.VectorSubcoreMesh(core_axis_name="c", subcore_axis_name="s")
    out = pl.kernel(
        _emb_body,
        out_type=jax.ShapeDtypeStruct((batch * seq, PAD_DIM), jnp.float32),
        mesh=mesh,
        scratch_types=[
            pltpu.VMEM((SEQ_PER_WORKER, SEQ), jnp.int32),
            pltpu.VMEM((ROWS, EMBED_DIM), jnp.float32),
            pltpu.VMEM((ROWS, EMBED_DIM), jnp.float32),
            pltpu.VMEM((ROWS, EMBED_DIM), jnp.float32),
            pltpu.SemaphoreType.DMA,
            pltpu.SemaphoreType.DMA,
            pltpu.SemaphoreType.DMA,
            pltpu.SemaphoreType.DMA,
        ],
        compiler_params=pltpu.CompilerParams(use_tc_tiling_on_sc=False),
    )(x2, tok_rows, pos_table)
    return out.reshape(batch, seq, PAD_DIM)[:, :, :EMBED_DIM]

# --- scband reference (transcript-rebuilt; emitter-appended) ---
"""Pipeline reference for scband-gptembedding-29755533427548 (READ-ONLY COPY).

The authoritative reference and input builder live on the scoring server;
editing this copy changes nothing except your own understanding.
"""

import jax, jax.numpy as jnp
import numpy as np

VOCAB = 1000000
EMBED_DIM = 64
MAX_SEQ_LEN = 200
BATCH = 1024
SEQ = 200


def setup_inputs(seed: int = 0) -> dict:
    key = jax.random.key(seed)
    k1, k2, k3 = jax.random.split(key, 3)
    x = jax.random.randint(k1, (BATCH, SEQ), 0, VOCAB, dtype=jnp.int64 if jax.config.jax_enable_x64 else jnp.int32)
    tok_table = jax.random.normal(k2, (VOCAB, EMBED_DIM), dtype=jnp.float32)
    pos_table = jax.random.normal(k3, (MAX_SEQ_LEN, EMBED_DIM), dtype=jnp.float32)
    return {"x": x, "tok_table": tok_table, "pos_table": pos_table}


def reference(x, tok_table, pos_table):
    batch_size, seq_length = x.shape
    token_emb = jnp.take(tok_table, x, axis=0)
    pos = jnp.arange(seq_length)
    pos = jnp.broadcast_to(pos[None, :], (batch_size, seq_length))
    token_pos = jnp.take(pos_table, pos, axis=0)
    embeddings = token_emb + token_pos
    return embeddings

if __name__ == "__main__":
    import jax
    _d = setup_inputs()
    print(jax.jit(kernel)(*tuple(_d.values())))

</pallas_src>

<mosaic_0001>
#map = affine_map<(d0, d1) -> (0, 0)>
module attributes {stable_mosaic.version = 14 : i64} {
  func.func @_emb_body(%arg0: i32, %arg1: i32, %arg2: memref<1024x200xi32, #tpu.memory_space<hbm>>, %arg3: memref<1015808x64xf32, #tpu.memory_space<hbm>>, %arg4: memref<200x64xf32, #tpu.memory_space<hbm>>, %arg5: memref<204800x128xf32, #tpu.memory_space<hbm>>, %arg6: memref<32x200xi32, #tpu.memory_space<vmem>>, %arg7: memref<400x64xf32, #tpu.memory_space<vmem>>, %arg8: memref<400x64xf32, #tpu.memory_space<vmem>>, %arg9: memref<400x64xf32, #tpu.memory_space<vmem>>, %arg10: memref<!tpu.dma_semaphore, #tpu.memory_space<semaphore_mem>>, %arg11: memref<!tpu.dma_semaphore, #tpu.memory_space<semaphore_mem>>, %arg12: memref<!tpu.dma_semaphore, #tpu.memory_space<semaphore_mem>>, %arg13: memref<!tpu.dma_semaphore, #tpu.memory_space<semaphore_mem>>) attributes {dimension_semantics = [#tpu.dimension_semantics<core_parallel>, #tpu.dimension_semantics<subcore_parallel>], iteration_bounds = array<i64: 2, 16>, scalar_prefetch = 0 : i64, scratch_operands = 8 : i64, tpu.core_type = #tpu.core_type<sc_vector_subcore>, window_params = [{transform_indices = #map}, {transform_indices = #map}, {transform_indices = #map}, {transform_indices = #map}]} {
    %mul3A = arith.constant 2 : i32
    %mul3A_0 = arith.muli %arg1, %mul3A : i32
    %add3A = arith.addi %mul3A_0, %arg0 : i32
    %mul3A_1 = arith.constant 32 : i32
    %mul3A_2 = arith.muli %add3A, %mul3A_1 : i32
    %mul3A_3 = arith.constant 200 : i32
    %mul3A_4 = arith.muli %mul3A_2, %mul3A_3 : i32
    "tpu.region"() ({
      %run_scoped3A = tpu.sem_alloc : memref<!tpu.dma_semaphore, #tpu.memory_space<semaphore_mem>>
      %dma_start3A_53 = arith.constant 0 : i32
      %dma_start3A_54 = tpu.memref_slice %arg2[%mul3A_2, %dma_start3A_53] : memref<1024x200xi32, #tpu.memory_space<hbm>> -> memref<32x200xi32, #tpu.memory_space<hbm>>
      %dma_start3A_55 = arith.constant 0 : i32
      %dma_start3A_56 = tpu.memref_slice %arg2[%mul3A_2, %dma_start3A_55] : memref<1024x200xi32, #tpu.memory_space<hbm>> -> memref<32x200xi32, #tpu.memory_space<hbm>>
      tpu.enqueue_dma source(%dma_start3A_56 : memref<32x200xi32, #tpu.memory_space<hbm>>) target(%arg6 : memref<32x200xi32, #tpu.memory_space<vmem>>) target_semaphore(%run_scoped3A : memref<!tpu.dma_semaphore, #tpu.memory_space<semaphore_mem>>)
      %dma_wait3A_57 = arith.constant 0 : i32
      %dma_wait3A_58 = tpu.memref_slice %arg2[%mul3A_2, %dma_wait3A_57] : memref<1024x200xi32, #tpu.memory_space<hbm>> -> memref<32x200xi32, #tpu.memory_space<hbm>>
      %dma_wait3A_59 = arith.constant 0 : i32
      %dma_wait3A_60 = tpu.memref_slice %arg2[%mul3A_2, %dma_wait3A_59] : memref<1024x200xi32, #tpu.memory_space<hbm>> -> memref<32x200xi32, #tpu.memory_space<hbm>>
      tpu.wait_dma2 semaphore(%run_scoped3A : memref<!tpu.dma_semaphore, #tpu.memory_space<semaphore_mem>>) src(%dma_wait3A_60 : memref<32x200xi32, #tpu.memory_space<hbm>>) dst(%arg6 : memref<32x200xi32, #tpu.memory_space<vmem>>)
      tpu.yield
    }) : () -> ()
    "tpu.region"() ({
      %run_scoped3A = tpu.sem_alloc : memref<!tpu.dma_semaphore, #tpu.memory_space<semaphore_mem>>
      %dma_start3A_53 = arith.constant 0 : i32
      %dma_start3A_54 = arith.constant 0 : i32
      %dma_start3A_55 = tpu.memref_slice %arg7[%dma_start3A_53, %dma_start3A_54] : memref<400x64xf32, #tpu.memory_space<vmem>> -> memref<200x64xf32, #tpu.memory_space<vmem>>
      %dma_start3A_56 = arith.constant 0 : i32
      %dma_start3A_57 = arith.constant 0 : i32
      %dma_start3A_58 = tpu.memref_slice %arg7[%dma_start3A_56, %dma_start3A_57] : memref<400x64xf32, #tpu.memory_space<vmem>> -> memref<200x64xf32, #tpu.memory_space<vmem>>
      tpu.enqueue_dma source(%arg4 : memref<200x64xf32, #tpu.memory_space<hbm>>) target(%dma_start3A_58 : memref<200x64xf32, #tpu.memory_space<vmem>>) target_semaphore(%run_scoped3A : memref<!tpu.dma_semaphore, #tpu.memory_space<semaphore_mem>>)
      %dma_wait3A_59 = arith.constant 0 : i32
      %dma_wait3A_60 = arith.constant 0 : i32
      %dma_wait3A_61 = tpu.memref_slice %arg7[%dma_wait3A_59, %dma_wait3A_60] : memref<400x64xf32, #tpu.memory_space<vmem>> -> memref<200x64xf32, #tpu.memory_space<vmem>>
      %dma_wait3A_62 = arith.constant 0 : i32
      %dma_wait3A_63 = arith.constant 0 : i32
      %dma_wait3A_64 = tpu.memref_slice %arg7[%dma_wait3A_62, %dma_wait3A_63] : memref<400x64xf32, #tpu.memory_space<vmem>> -> memref<200x64xf32, #tpu.memory_space<vmem>>
      tpu.wait_dma2 semaphore(%run_scoped3A : memref<!tpu.dma_semaphore, #tpu.memory_space<semaphore_mem>>) src(%arg4 : memref<200x64xf32, #tpu.memory_space<hbm>>) dst(%dma_wait3A_64 : memref<200x64xf32, #tpu.memory_space<vmem>>)
      tpu.yield
    }) : () -> ()
    "tpu.region"() ({
      %run_scoped3A = tpu.sem_alloc : memref<!tpu.dma_semaphore, #tpu.memory_space<semaphore_mem>>
      %dma_start3A_53 = arith.constant 200 : i32
      %dma_start3A_54 = arith.constant 0 : i32
      %dma_start3A_55 = tpu.memref_slice %arg7[%dma_start3A_53, %dma_start3A_54] : memref<400x64xf32, #tpu.memory_space<vmem>> -> memref<200x64xf32, #tpu.memory_space<vmem>>
      %dma_start3A_56 = arith.constant 200 : i32
      %dma_start3A_57 = arith.constant 0 : i32
      %dma_start3A_58 = tpu.memref_slice %arg7[%dma_start3A_56, %dma_start3A_57] : memref<400x64xf32, #tpu.memory_space<vmem>> -> memref<200x64xf32, #tpu.memory_space<vmem>>
      tpu.enqueue_dma source(%arg4 : memref<200x64xf32, #tpu.memory_space<hbm>>) target(%dma_start3A_58 : memref<200x64xf32, #tpu.memory_space<vmem>>) target_semaphore(%run_scoped3A : memref<!tpu.dma_semaphore, #tpu.memory_space<semaphore_mem>>)
      %dma_wait3A_59 = arith.constant 200 : i32
      %dma_wait3A_60 = arith.constant 0 : i32
      %dma_wait3A_61 = tpu.memref_slice %arg7[%dma_wait3A_59, %dma_wait3A_60] : memref<400x64xf32, #tpu.memory_space<vmem>> -> memref<200x64xf32, #tpu.memory_space<vmem>>
      %dma_wait3A_62 = arith.constant 200 : i32
      %dma_wait3A_63 = arith.constant 0 : i32
      %dma_wait3A_64 = tpu.memref_slice %arg7[%dma_wait3A_62, %dma_wait3A_63] : memref<400x64xf32, #tpu.memory_space<vmem>> -> memref<200x64xf32, #tpu.memory_space<vmem>>
      tpu.wait_dma2 semaphore(%run_scoped3A : memref<!tpu.dma_semaphore, #tpu.memory_space<semaphore_mem>>) src(%arg4 : memref<200x64xf32, #tpu.memory_space<hbm>>) dst(%dma_wait3A_64 : memref<200x64xf32, #tpu.memory_space<vmem>>)
      tpu.yield
    }) : () -> ()
    %dma_start3A = arith.constant 0 : i32
    %dma_start3A_5 = arith.constant 0 : i32
    %dma_start3A_6 = arith.constant 0 : i32
    %dma_start3A_7 = tpu.memref_slice %arg8[%dma_start3A_5, %dma_start3A_6] : memref<400x64xf32, #tpu.memory_space<vmem>> -> memref<128x64xf32, #tpu.memory_space<vmem>>
    %dma_start3A_8 = arith.constant 0 : i32
    %dma_start3A_9 = tpu.memref_slice %arg6[%dma_start3A, %dma_start3A_8] : memref<32x200xi32, #tpu.memory_space<vmem>> -> memref<1x128xi32, #tpu.memory_space<vmem>>
    %dma_start3A_10 = tpu.memref_squeeze %dma_start3A_9 : memref<1x128xi32, #tpu.memory_space<vmem>> -> memref<128xi32, #tpu.memory_space<vmem>>
    %dma_start3A_11 = arith.constant 0 : i32
    %dma_start3A_12 = arith.constant 0 : i32
    %dma_start3A_13 = tpu.memref_slice %arg3[%dma_start3A_11, %dma_start3A_12] : memref<1015808x64xf32, #tpu.memory_space<hbm>> -> memref<1015808x64xf32, #tpu.memory_space<hbm>>
    tpu.enqueue_indirect_dma source(%dma_start3A_13 : memref<1015808x64xf32, #tpu.memory_space<hbm>>) target(%dma_start3A_7 : memref<128x64xf32, #tpu.memory_space<vmem>>) offsets(%dma_start3A_10 : memref<128xi32, #tpu.memory_space<vmem>>) semaphore(%arg10 : memref<!tpu.dma_semaphore, #tpu.memory_space<semaphore_mem>>)
    %dma_start3A_14 = arith.constant 0 : i32
    %dma_start3A_15 = arith.constant 128 : i32
    %dma_start3A_16 = arith.constant 0 : i32
    %dma_start3A_17 = tpu.memref_slice %arg8[%dma_start3A_15, %dma_start3A_16] : memref<400x64xf32, #tpu.memory_space<vmem>> -> memref<72x64xf32, #tpu.memory_space<vmem>>
    %dma_start3A_18 = arith.constant 128 : i32
    %dma_start3A_19 = tpu.memref_slice %arg6[%dma_start3A_14, %dma_start3A_18] : memref<32x200xi32, #tpu.memory_space<vmem>> -> memref<1x72xi32, #tpu.memory_space<vmem>>
    %dma_start3A_20 = tpu.memref_squeeze %dma_start3A_19 : memref<1x72xi32, #tpu.memory_space<vmem>> -> memref<72xi32, #tpu.memory_space<vmem>>
    %dma_start3A_21 = arith.constant 0 : i32
    %dma_start3A_22 = arith.constant 0 : i32
    %dma_start3A_23 = tpu.memref_slice %arg3[%dma_start3A_21, %dma_start3A_22] : memref<1015808x64xf32, #tpu.memory_space<hbm>> -> memref<1015808x64xf32, #tpu.memory_space<hbm>>
    tpu.enqueue_indirect_dma source(%dma_start3A_23 : memref<1015808x64xf32, #tpu.memory_space<hbm>>) target(%dma_start3A_17 : memref<72x64xf32, #tpu.memory_space<vmem>>) offsets(%dma_start3A_20 : memref<72xi32, #tpu.memory_space<vmem>>) semaphore(%arg10 : memref<!tpu.dma_semaphore, #tpu.memory_space<semaphore_mem>>)
    %dma_start3A_24 = arith.constant 1 : i32
    %dma_start3A_25 = arith.constant 200 : i32
    %dma_start3A_26 = arith.constant 0 : i32
    %dma_start3A_27 = tpu.memref_slice %arg8[%dma_start3A_25, %dma_start3A_26] : memref<400x64xf32, #tpu.memory_space<vmem>> -> memref<128x64xf32, #tpu.memory_space<vmem>>
    %dma_start3A_28 = arith.constant 0 : i32
    %dma_start3A_29 = tpu.memref_slice %arg6[%dma_start3A_24, %dma_start3A_28] : memref<32x200xi32, #tpu.memory_space<vmem>> -> memref<1x128xi32, #tpu.memory_space<vmem>>
    %dma_start3A_30 = tpu.memref_squeeze %dma_start3A_29 : memref<1x128xi32, #tpu.memory_space<vmem>> -> memref<128xi32, #tpu.memory_space<vmem>>
    %dma_start3A_31 = arith.constant 0 : i32
    %dma_start3A_32 = arith.constant 0 : i32
    %dma_start3A_33 = tpu.memref_slice %arg3[%dma_start3A_31, %dma_start3A_32] : memref<1015808x64xf32, #tpu.memory_space<hbm>> -> memref<1015808x64xf32, #tpu.memory_space<hbm>>
    tpu.enqueue_indirect_dma source(%dma_start3A_33 : memref<1015808x64xf32, #tpu.memory_space<hbm>>) target(%dma_start3A_27 : memref<128x64xf32, #tpu.memory_space<vmem>>) offsets(%dma_start3A_30 : memref<128xi32, #tpu.memory_space<vmem>>) semaphore(%arg10 : memref<!tpu.dma_semaphore, #tpu.memory_space<semaphore_mem>>)
    %dma_start3A_34 = arith.constant 1 : i32
    %dma_start3A_35 = arith.constant 328 : i32
    %dma_start3A_36 = arith.constant 0 : i32
    %dma_start3A_37 = tpu.memref_slice %arg8[%dma_start3A_35, %dma_start3A_36] : memref<400x64xf32, #tpu.memory_space<vmem>> -> memref<72x64xf32, #tpu.memory_space<vmem>>
    %dma_start3A_38 = arith.constant 128 : i32
    %dma_start3A_39 = tpu.memref_slice %arg6[%dma_start3A_34, %dma_start3A_38] : memref<32x200xi32, #tpu.memory_space<vmem>> -> memref<1x72xi32, #tpu.memory_space<vmem>>
    %dma_start3A_40 = tpu.memref_squeeze %dma_start3A_39 : memref<1x72xi32, #tpu.memory_space<vmem>> -> memref<72xi32, #tpu.memory_space<vmem>>
    %dma_start3A_41 = arith.constant 0 : i32
    %dma_start3A_42 = arith.constant 0 : i32
    %dma_start3A_43 = tpu.memref_slice %arg3[%dma_start3A_41, %dma_start3A_42] : memref<1015808x64xf32, #tpu.memory_space<hbm>> -> memref<1015808x64xf32, #tpu.memory_space<hbm>>
    tpu.enqueue_indirect_dma source(%dma_start3A_43 : memref<1015808x64xf32, #tpu.memory_space<hbm>>) target(%dma_start3A_37 : memref<72x64xf32, #tpu.memory_space<vmem>>) offsets(%dma_start3A_40 : memref<72xi32, #tpu.memory_space<vmem>>) semaphore(%arg10 : memref<!tpu.dma_semaphore, #tpu.memory_space<semaphore_mem>>)
    %scan3A = arith.constant 0 : i32
    %scan3A_44 = arith.constant 8 : i32
    %scan3A_45 = arith.addi %scan3A, %scan3A_44 : i32
    %scan3A_46 = arith.constant 1 : i32
    scf.for %scan3A_53 = %scan3A to %scan3A_45 step %scan3A_46  : i32 {
      %mul3A_54 = arith.constant 2 : i32
      %mul3A_55 = arith.muli %scan3A_53, %mul3A_54 : i32
      %add3A_56 = arith.constant 0 : i32
      %add3A_57 = arith.addi %add3A_56, %mul3A_55 : i32
      %add3A_58 = arith.constant 0 : i32
      %add3A_59 = arith.addi %add3A_57, %add3A_58 : i32
      %ge3A = arith.constant 1 : i32
      %ge3A_60 = arith.cmpi sge, %add3A_59, %ge3A : i32
      %convert_element_type3A = arith.extui %ge3A_60 : i1 to i32
      %cond3A = arith.constant 0 : i32
      %cond3A_61 = arith.cmpi ne, %convert_element_type3A, %cond3A : i32
      scf.if %cond3A_61 {
        %dma_wait3A_118 = arith.constant 0 : i32
        %dma_wait3A_119 = arith.constant 0 : i32
        %dma_wait3A_120 = tpu.memref_slice %arg5[%dma_wait3A_118, %dma_wait3A_119] : memref<204800x128xf32, #tpu.memory_space<hbm>> -> memref<400x64xf32, #tpu.memory_space<hbm>>
        %dma_wait3A_121 = arith.constant 0 : i32
        %dma_wait3A_122 = arith.constant 0 : i32
        %dma_wait3A_123 = tpu.memref_slice %arg5[%dma_wait3A_121, %dma_wait3A_122] : memref<204800x128xf32, #tpu.memory_space<hbm>> -> memref<400x64xf32, #tpu.memory_space<hbm>>
        tpu.wait_dma2 semaphore(%arg13 : memref<!tpu.dma_semaphore, #tpu.memory_space<semaphore_mem>>) src(%arg9 : memref<400x64xf32, #tpu.memory_space<vmem>>) dst(%dma_wait3A_123 : memref<400x64xf32, #tpu.memory_space<hbm>>)
      } else {
      }
      %add3A_62 = arith.constant 1 : i32
      %add3A_63 = arith.addi %add3A_59, %add3A_62 : i32
      %lt3A = arith.constant 16 : i32
      %lt3A_64 = arith.cmpi slt, %add3A_63, %lt3A : i32
      %convert_element_type3A_65 = arith.extui %lt3A_64 : i1 to i32
      %cond3A_66 = arith.constant 0 : i32
      %cond3A_67 = arith.cmpi ne, %convert_element_type3A_65, %cond3A_66 : i32
      scf.if %cond3A_67 {
        %add3A_118 = arith.constant 1 : i32
        %add3A_119 = arith.addi %add3A_59, %add3A_118 : i32
        %mul3A_120 = arith.constant 2 : i32
        %mul3A_121 = arith.muli %add3A_119, %mul3A_120 : i32
        %add3A_122 = arith.constant 0 : i32
        %add3A_123 = arith.addi %mul3A_121, %add3A_122 : i32
        %dma_start3A_124 = arith.constant 0 : i32
        %dma_start3A_125 = arith.constant 0 : i32
        %dma_start3A_126 = tpu.memref_slice %arg9[%dma_start3A_124, %dma_start3A_125] : memref<400x64xf32, #tpu.memory_space<vmem>> -> memref<128x64xf32, #tpu.memory_space<vmem>>
        %dma_start3A_127 = arith.constant 0 : i32
        %dma_start3A_128 = tpu.memref_slice %arg6[%add3A_123, %dma_start3A_127] : memref<32x200xi32, #tpu.memory_space<vmem>> -> memref<1x128xi32, #tpu.memory_space<vmem>>
        %dma_start3A_129 = tpu.memref_squeeze %dma_start3A_128 : memref<1x128xi32, #tpu.memory_space<vmem>> -> memref<128xi32, #tpu.memory_space<vmem>>
        %dma_start3A_130 = arith.constant 0 : i32
        %dma_start3A_131 = arith.constant 0 : i32
        %dma_start3A_132 = tpu.memref_slice %arg3[%dma_start3A_130, %dma_start3A_131] : memref<1015808x64xf32, #tpu.memory_space<hbm>> -> memref<1015808x64xf32, #tpu.memory_space<hbm>>
        tpu.enqueue_indirect_dma source(%dma_start3A_132 : memref<1015808x64xf32, #tpu.memory_space<hbm>>) target(%dma_start3A_126 : memref<128x64xf32, #tpu.memory_space<vmem>>) offsets(%dma_start3A_129 : memref<128xi32, #tpu.memory_space<vmem>>) semaphore(%arg11 : memref<!tpu.dma_semaphore, #tpu.memory_space<semaphore_mem>>)
        %dma_start3A_133 = arith.constant 128 : i32
        %dma_start3A_134 = arith.constant 0 : i32
        %dma_start3A_135 = tpu.memref_slice %arg9[%dma_start3A_133, %dma_start3A_134] : memref<400x64xf32, #tpu.memory_space<vmem>> -> memref<72x64xf32, #tpu.memory_space<vmem>>
        %dma_start3A_136 = arith.constant 128 : i32
        %dma_start3A_137 = tpu.memref_slice %arg6[%add3A_123, %dma_start3A_136] : memref<32x200xi32, #tpu.memory_space<vmem>> -> memref<1x72xi32, #tpu.memory_space<vmem>>
        %dma_start3A_138 = tpu.memref_squeeze %dma_start3A_137 : memref<1x72xi32, #tpu.memory_space<vmem>> -> memref<72xi32, #tpu.memory_space<vmem>>
        %dma_start3A_139 = arith.constant 0 : i32
        %dma_start3A_140 = arith.constant 0 : i32
        %dma_start3A_141 = tpu.memref_slice %arg3[%dma_start3A_139, %dma_start3A_140] : memref<1015808x64xf32, #tpu.memory_space<hbm>> -> memref<1015808x64xf32, #tpu.memory_space<hbm>>
        tpu.enqueue_indirect_dma source(%dma_start3A_141 : memref<1015808x64xf32, #tpu.memory_space<hbm>>) target(%dma_start3A_135 : memref<72x64xf32, #tpu.memory_space<vmem>>) offsets(%dma_start3A_138 : memref<72xi32, #tpu.memory_space<vmem>>) semaphore(%arg11 : memref<!tpu.dma_semaphore, #tpu.memory_space<semaphore_mem>>)
        %mul3A_142 = arith.constant 2 : i32
        %mul3A_143 = arith.muli %add3A_119, %mul3A_142 : i32
        %add3A_144 = arith.constant 1 : i32
        %add3A_145 = arith.addi %mul3A_143, %add3A_144 : i32
        %dma_start3A_146 = arith.constant 200 : i32
        %dma_start3A_147 = arith.constant 0 : i32
        %dma_start3A_148 = tpu.memref_slice %arg9[%dma_start3A_146, %dma_start3A_147] : memref<400x64xf32, #tpu.memory_space<vmem>> -> memref<128x64xf32, #tpu.memory_space<vmem>>
        %dma_start3A_149 = arith.constant 0 : i32
        %dma_start3A_150 = tpu.memref_slice %arg6[%add3A_145, %dma_start3A_149] : memref<32x200xi32, #tpu.memory_space<vmem>> -> memref<1x128xi32, #tpu.memory_space<vmem>>
        %dma_start3A_151 = tpu.memref_squeeze %dma_start3A_150 : memref<1x128xi32, #tpu.memory_space<vmem>> -> memref<128xi32, #tpu.memory_space<vmem>>
        %dma_start3A_152 = arith.constant 0 : i32
        %dma_start3A_153 = arith.constant 0 : i32
        %dma_start3A_154 = tpu.memref_slice %arg3[%dma_start3A_152, %dma_start3A_153] : memref<1015808x64xf32, #tpu.memory_space<hbm>> -> memref<1015808x64xf32, #tpu.memory_space<hbm>>
        tpu.enqueue_indirect_dma source(%dma_start3A_154 : memref<1015808x64xf32, #tpu.memory_space<hbm>>) target(%dma_start3A_148 : memref<128x64xf32, #tpu.memory_space<vmem>>) offsets(%dma_start3A_151 : memref<128xi32, #tpu.memory_space<vmem>>) semaphore(%arg11 : memref<!tpu.dma_semaphore, #tpu.memory_space<semaphore_mem>>)
        %dma_start3A_155 = arith.constant 328 : i32
        %dma_start3A_156 = arith.constant 0 : i32
        %dma_start3A_157 = tpu.memref_slice %arg9[%dma_start3A_155, %dma_start3A_156] : memref<400x64xf32, #tpu.memory_space<vmem>> -> memref<72x64xf32, #tpu.memory_space<vmem>>
        %dma_start3A_158 = arith.constant 128 : i32
        %dma_start3A_159 = tpu.memref_slice %arg6[%add3A_145, %dma_start3A_158] : memref<32x200xi32, #tpu.memory_space<vmem>> -> memref<1x72xi32, #tpu.memory_space<vmem>>
        %dma_start3A_160 = tpu.memref_squeeze %dma_start3A_159 : memref<1x72xi32, #tpu.memory_space<vmem>> -> memref<72xi32, #tpu.memory_space<vmem>>
        %dma_start3A_161 = arith.constant 0 : i32
        %dma_start3A_162 = arith.constant 0 : i32
        %dma_start3A_163 = tpu.memref_slice %arg3[%dma_start3A_161, %dma_start3A_162] : memref<1015808x64xf32, #tpu.memory_space<hbm>> -> memref<1015808x64xf32, #tpu.memory_space<hbm>>
        tpu.enqueue_indirect_dma source(%dma_start3A_163 : memref<1015808x64xf32, #tpu.memory_space<hbm>>) target(%dma_start3A_157 : memref<72x64xf32, #tpu.memory_space<vmem>>) offsets(%dma_start3A_160 : memref<72xi32, #tpu.memory_space<vmem>>) semaphore(%arg11 : memref<!tpu.dma_semaphore, #tpu.memory_space<semaphore_mem>>)
      } else {
      }
      %dma_wait3A_68 = arith.constant 0 : i32
      %dma_wait3A_69 = arith.constant 0 : i32
      %dma_wait3A_70 = tpu.memref_slice %arg3[%dma_wait3A_68, %dma_wait3A_69] : memref<1015808x64xf32, #tpu.memory_space<hbm>> -> memref<400x64xf32, #tpu.memory_space<hbm>>
      %dma_wait3A_71 = arith.constant 0 : i32
      %dma_wait3A_72 = arith.constant 0 : i32
      %dma_wait3A_73 = tpu.memref_slice %arg3[%dma_wait3A_71, %dma_wait3A_72] : memref<1015808x64xf32, #tpu.memory_space<hbm>> -> memref<400x64xf32, #tpu.memory_space<hbm>>
      tpu.wait_dma2 semaphore(%arg10 : memref<!tpu.dma_semaphore, #tpu.memory_space<semaphore_mem>>) src(%dma_wait3A_73 : memref<400x64xf32, #tpu.memory_space<hbm>>) dst(%arg8 : memref<400x64xf32, #tpu.memory_space<vmem>>)
      %scan3A_74 = arith.constant 0 : i32
      %scan3A_75 = arith.constant 400 : i32
      %scan3A_76 = arith.addi %scan3A_74, %scan3A_75 : i32
      %scan3A_77 = arith.constant 8 : i32
      scf.for %scan3A_118 = %scan3A_74 to %scan3A_76 step %scan3A_77  : i32 {
        %mul3A_119 = arith.constant 1 : i32
        %mul3A_120 = arith.muli %scan3A_118, %mul3A_119 : i32
        %add3A_121 = arith.constant 0 : i32
        %add3A_122 = arith.addi %add3A_121, %mul3A_120 : i32
        %get3A = arith.index_cast %add3A_122 : i32 to index
        %get3A_123 = arith.constant 0 : index
        %get3A_124 = tpu.vector_load %arg8[%get3A, %get3A_123] {strides = array<i32>} : memref<400x64xf32, #tpu.memory_space<vmem>>, vector<1x16xf32>,
        %get3A_125 = vector.shape_cast %get3A_124 : vector<1x16xf32> to vector<16xf32>
        %get3A_126 = arith.index_cast %add3A_122 : i32 to index
        %get3A_127 = arith.constant 0 : index
        %get3A_128 = tpu.vector_load %arg7[%get3A_126, %get3A_127] {strides = array<i32>} : memref<400x64xf32, #tpu.memory_space<vmem>>, vector<1x16xf32>,
        %get3A_129 = vector.shape_cast %get3A_128 : vector<1x16xf32> to vector<16xf32>
        %add3A_130 = arith.addf %get3A_125, %get3A_129 : vector<16xf32>
        %swap3A = arith.index_cast %add3A_122 : i32 to index
        %swap3A_131 = arith.constant 0 : index
        %swap3A_132 = tpu.vector_load %arg8[%swap3A, %swap3A_131] {strides = array<i32>} : memref<400x64xf32, #tpu.memory_space<vmem>>, vector<1x16xf32>,
        %swap3A_133 = vector.shape_cast %swap3A_132 : vector<1x16xf32> to vector<16xf32>
        %swap3A_134 = vector.shape_cast %add3A_130 : vector<16xf32> to vector<1x16xf32>
        tpu.vector_store %arg8[%swap3A, %swap3A_131], %swap3A_134 {strides = array<i32>} : memref<400x64xf32, #tpu.memory_space<vmem>>, vector<1x16xf32>,
        %get3A_135 = arith.index_cast %add3A_122 : i32 to index
        %get3A_136 = arith.constant 16 : index
        %get3A_137 = tpu.vector_load %arg8[%get3A_135, %get3A_136] {strides = array<i32>} : memref<400x64xf32, #tpu.memory_space<vmem>>, vector<1x16xf32>,
        %get3A_138 = vector.shape_cast %get3A_137 : vector<1x16xf32> to vector<16xf32>
        %get3A_139 = arith.index_cast %add3A_122 : i32 to index
        %get3A_140 = arith.constant 16 : index
        %get3A_141 = tpu.vector_load %arg7[%get3A_139, %get3A_140] {strides = array<i32>} : memref<400x64xf32, #tpu.memory_space<vmem>>, vector<1x16xf32>,
        %get3A_142 = vector.shape_cast %get3A_141 : vector<1x16xf32> to vector<16xf32>
        %add3A_143 = arith.addf %get3A_138, %get3A_142 : vector<16xf32>
        %swap3A_144 = arith.index_cast %add3A_122 : i32 to index
        %swap3A_145 = arith.constant 16 : index
        %swap3A_146 = tpu.vector_load %arg8[%swap3A_144, %swap3A_145] {strides = array<i32>} : memref<400x64xf32, #tpu.memory_space<vmem>>, vector<1x16xf32>,
        %swap3A_147 = vector.shape_cast %swap3A_146 : vector<1x16xf32> to vector<16xf32>
        %swap3A_148 = vector.shape_cast %add3A_143 : vector<16xf32> to vector<1x16xf32>
        tpu.vector_store %arg8[%swap3A_144, %swap3A_145], %swap3A_148 {strides = array<i32>} : memref<400x64xf32, #tpu.memory_space<vmem>>, vector<1x16xf32>,
        %get3A_149 = arith.index_cast %add3A_122 : i32 to index
        %get3A_150 = arith.constant 32 : index
        %get3A_151 = tpu.vector_load %arg8[%get3A_149, %get3A_150] {strides = array<i32>} : memref<400x64xf32, #tpu.memory_space<vmem>>, vector<1x16xf32>,
        %get3A_152 = vector.shape_cast %get3A_151 : vector<1x16xf32> to vector<16xf32>
        %get3A_153 = arith.index_cast %add3A_122 : i32 to index
        %get3A_154 = arith.constant 32 : index
        %get3A_155 = tpu.vector_load %arg7[%get3A_153, %get3A_154] {strides = array<i32>} : memref<400x64xf32, #tpu.memory_space<vmem>>, vector<1x16xf32>,
        %get3A_156 = vector.shape_cast %get3A_155 : vector<1x16xf32> to vector<16xf32>
        %add3A_157 = arith.addf %get3A_152, %get3A_156 : vector<16xf32>
        %swap3A_158 = arith.index_cast %add3A_122 : i32 to index
        %swap3A_159 = arith.constant 32 : index
        %swap3A_160 = tpu.vector_load %arg8[%swap3A_158, %swap3A_159] {strides = array<i32>} : memref<400x64xf32, #tpu.memory_space<vmem>>, vector<1x16xf32>,
        %swap3A_161 = vector.shape_cast %swap3A_160 : vector<1x16xf32> to vector<16xf32>
        %swap3A_162 = vector.shape_cast %add3A_157 : vector<16xf32> to vector<1x16xf32>
        tpu.vector_store %arg8[%swap3A_158, %swap3A_159], %swap3A_162 {strides = array<i32>} : memref<400x64xf32, #tpu.memory_space<vmem>>, vector<1x16xf32>,
        %get3A_163 = arith.index_cast %add3A_122 : i32 to index
        %get3A_164 = arith.constant 48 : index
        %get3A_165 = tpu.vector_load %arg8[%get3A_163, %get3A_164] {strides = array<i32>} : memref<400x64xf32, #tpu.memory_space<vmem>>, vector<1x16xf32>,
        %get3A_166 = vector.shape_cast %get3A_165 : vector<1x16xf32> to vector<16xf32>
        %get3A_167 = arith.index_cast %add3A_122 : i32 to index
        %get3A_168 = arith.constant 48 : index
        %get3A_169 = tpu.vector_load %arg7[%get3A_167, %get3A_168] {strides = array<i32>} : memref<400x64xf32, #tpu.memory_space<vmem>>, vector<1x16xf32>,
        %get3A_170 = vector.shape_cast %get3A_169 : vector<1x16xf32> to vector<16xf32>
        %add3A_171 = arith.addf %get3A_166, %get3A_170 : vector<16xf32>
        %swap3A_172 = arith.index_cast %add3A_122 : i32 to index
        %swap3A_173 = arith.constant 48 : index
        %swap3A_174 = tpu.vector_load %arg8[%swap3A_172, %swap3A_173] {strides = array<i32>} : memref<400x64xf32, #tpu.memory_space<vmem>>, vector<1x16xf32>,
        %swap3A_175 = vector.shape_cast %swap3A_174 : vector<1x16xf32> to vector<16xf32>
        %swap3A_176 = vector.shape_cast %add3A_171 : vector<16xf32> to vector<1x16xf32>
        tpu.vector_store %arg8[%swap3A_172, %swap3A_173], %swap3A_176 {strides = array<i32>} : memref<400x64xf32, #tpu.memory_space<vmem>>, vector<1x16xf32>,
        %scan3A_177 = arith.constant 1 : i32
        %scan3A_178 = arith.addi %scan3A_118, %scan3A_177 : i32
        %mul3A_179 = arith.constant 1 : i32
        %mul3A_180 = arith.muli %scan3A_178, %mul3A_179 : i32
        %add3A_181 = arith.constant 0 : i32
        %add3A_182 = arith.addi %add3A_181, %mul3A_180 : i32
        %get3A_183 = arith.index_cast %add3A_182 : i32 to index
        %get3A_184 = arith.constant 0 : index
        %get3A_185 = tpu.vector_load %arg8[%get3A_183, %get3A_184] {strides = array<i32>} : memref<400x64xf32, #tpu.memory_space<vmem>>, vector<1x16xf32>,
        %get3A_186 = vector.shape_cast %get3A_185 : vector<1x16xf32> to vector<16xf32>
        %get3A_187 = arith.index_cast %add3A_182 : i32 to index
        %get3A_188 = arith.constant 0 : index
        %get3A_189 = tpu.vector_load %arg7[%get3A_187, %get3A_188] {strides = array<i32>} : memref<400x64xf32, #tpu.memory_space<vmem>>, vector<1x16xf32>,
        %get3A_190 = vector.shape_cast %get3A_189 : vector<1x16xf32> to vector<16xf32>
        %add3A_191 = arith.addf %get3A_186, %get3A_190 : vector<16xf32>
        %swap3A_192 = arith.index_cast %add3A_182 : i32 to index
        %swap3A_193 = arith.constant 0 : index
        %swap3A_194 = tpu.vector_load %arg8[%swap3A_192, %swap3A_193] {strides = array<i32>} : memref<400x64xf32, #tpu.memory_space<vmem>>, vector<1x16xf32>,
        %swap3A_195 = vector.shape_cast %swap3A_194 : vector<1x16xf32> to vector<16xf32>
        %swap3A_196 = vector.shape_cast %add3A_191 : vector<16xf32> to vector<1x16xf32>
        tpu.vector_store %arg8[%swap3A_192, %swap3A_193], %swap3A_196 {strides = array<i32>} : memref<400x64xf32, #tpu.memory_space<vmem>>, vector<1x16xf32>,
        %get3A_197 = arith.index_cast %add3A_182 : i32 to index
        %get3A_198 = arith.constant 16 : index
        %get3A_199 = tpu.vector_load %arg8[%get3A_197, %get3A_198] {strides = array<i32>} : memref<400x64xf32, #tpu.memory_space<vmem>>, vector<1x16xf32>,
        %get3A_200 = vector.shape_cast %get3A_199 : vector<1x16xf32> to vector<16xf32>
        %get3A_201 = arith.index_cast %add3A_182 : i32 to index
        %get3A_202 = arith.constant 16 : index
        %get3A_203 = tpu.vector_load %arg7[%get3A_201, %get3A_202] {strides = array<i32>} : memref<400x64xf32, #tpu.memory_space<vmem>>, vector<1x16xf32>,
        %get3A_204 = vector.shape_cast %get3A_203 : vector<1x16xf32> to vector<16xf32>
        %add3A_205 = arith.addf %get3A_200, %get3A_204 : vector<16xf32>
        %swap3A_206 = arith.index_cast %add3A_182 : i32 to index
        %swap3A_207 = arith.constant 16 : index
        %swap3A_208 = tpu.vector_load %arg8[%swap3A_206, %swap3A_207] {strides = array<i32>} : memref<400x64xf32, #tpu.memory_space<vmem>>, vector<1x16xf32>,
        %swap3A_209 = vector.shape_cast %swap3A_208 : vector<1x16xf32> to vector<16xf32>
        %swap3A_210 = vector.shape_cast %add3A_205 : vector<16xf32> to vector<1x16xf32>
        tpu.vector_store %arg8[%swap3A_206, %swap3A_207], %swap3A_210 {strides = array<i32>} : memref<400x64xf32, #tpu.memory_space<vmem>>, vector<1x16xf32>,
        %get3A_211 = arith.index_cast %add3A_182 : i32 to index
        %get3A_212 = arith.constant 32 : index
        %get3A_213 = tpu.vector_load %arg8[%get3A_211, %get3A_212] {strides = array<i32>} : memref<400x64xf32, #tpu.memory_space<vmem>>, vector<1x16xf32>,
        %get3A_214 = vector.shape_cast %get3A_213 : vector<1x16xf32> to vector<16xf32>
        %get3A_215 = arith.index_cast %add3A_182 : i32 to index
        %get3A_216 = arith.constant 32 : index
        %get3A_217 = tpu.vector_load %arg7[%get3A_215, %get3A_216] {strides = array<i32>} : memref<400x64xf32, #tpu.memory_space<vmem>>, vector<1x16xf32>,
        %get3A_218 = vector.shape_cast %get3A_217 : vector<1x16xf32> to vector<16xf32>
        %add3A_219 = arith.addf %get3A_214, %get3A_218 : vector<16xf32>
        %swap3A_220 = arith.index_cast %add3A_182 : i32 to index
        %swap3A_221 = arith.constant 32 : index
        %swap3A_222 = tpu.vector_load %arg8[%swap3A_220, %swap3A_221] {strides = array<i32>} : memref<400x64xf32, #tpu.memory_space<vmem>>, vector<1x16xf32>,
        %swap3A_223 = vector.shape_cast %swap3A_222 : vector<1x16xf32> to vector<16xf32>
        %swap3A_224 = vector.shape_cast %add3A_219 : vector<16xf32> to vector<1x16xf32>
        tpu.vector_store %arg8[%swap3A_220, %swap3A_221], %swap3A_224 {strides = array<i32>} : memref<400x64xf32, #tpu.memory_space<vmem>>, vector<1x16xf32>,
        %get3A_225 = arith.index_cast %add3A_182 : i32 to index
        %get3A_226 = arith.constant 48 : index
        %get3A_227 = tpu.vector_load %arg8[%get3A_225, %get3A_226] {strides = array<i32>} : memref<400x64xf32, #tpu.memory_space<vmem>>, vector<1x16xf32>,
        %get3A_228 = vector.shape_cast %get3A_227 : vector<1x16xf32> to vector<16xf32>
        %get3A_229 = arith.index_cast %add3A_182 : i32 to index
        %get3A_230 = arith.constant 48 : index
        %get3A_231 = tpu.vector_load %arg7[%get3A_229, %get3A_230] {strides = array<i32>} : memref<400x64xf32, #tpu.memory_space<vmem>>, vector<1x16xf32>,
        %get3A_232 = vector.shape_cast %get3A_231 : vector<1x16xf32> to vector<16xf32>
        %add3A_233 = arith.addf %get3A_228, %get3A_232 : vector<16xf32>
        %swap3A_234 = arith.index_cast %add3A_182 : i32 to index
        %swap3A_235 = arith.constant 48 : index
        %swap3A_236 = tpu.vector_load %arg8[%swap3A_234, %swap3A_235] {strides = array<i32>} : memref<400x64xf32, #tpu.memory_space<vmem>>, vector<1x16xf32>,
        %swap3A_237 = vector.shape_cast %swap3A_236 : vector<1x16xf32> to vector<16xf32>
        %swap3A_238 = vector.shape_cast %add3A_233 : vector<16xf32> to vector<1x16xf32>
        tpu.vector_store %arg8[%swap3A_234, %swap3A_235], %swap3A_238 {strides = array<i32>} : memref<400x64xf32, #tpu.memory_space<vmem>>, vector<1x16xf32>,
        %scan3A_239 = arith.constant 2 : i32
        %scan3A_240 = arith.addi %scan3A_118, %scan3A_239 : i32
        %mul3A_241 = arith.constant 1 : i32
        %mul3A_242 = arith.muli %scan3A_240, %mul3A_241 : i32
        %add3A_243 = arith.constant 0 : i32
        %add3A_244 = arith.addi %add3A_243, %mul3A_242 : i32
        %get3A_245 = arith.index_cast %add3A_244 : i32 to index
        %get3A_246 = arith.constant 0 : index
        %get3A_247 = tpu.vector_load %arg8[%get3A_245, %get3A_246] {strides = array<i32>} : memref<400x64xf32, #tpu.memory_space<vmem>>, vector<1x16xf32>,
        %get3A_248 = vector.shape_cast %get3A_247 : vector<1x16xf32> to vector<16xf32>
        %get3A_249 = arith.index_cast %add3A_244 : i32 to index
        %get3A_250 = arith.constant 0 : index
        %get3A_251 = tpu.vector_load %arg7[%get3A_249, %get3A_250] {strides = array<i32>} : memref<400x64xf32, #tpu.memory_space<vmem>>, vector<1x16xf32>,
        %get3A_252 = vector.shape_cast %get3A_251 : vector<1x16xf32> to vector<16xf32>
        %add3A_253 = arith.addf %get3A_248, %get3A_252 : vector<16xf32>
        %swap3A_254 = arith.index_cast %add3A_244 : i32 to index
        %swap3A_255 = arith.constant 0 : index
        %swap3A_256 = tpu.vector_load %arg8[%swap3A_254, %swap3A_255] {strides = array<i32>} : memref<400x64xf32, #tpu.memory_space<vmem>>, vector<1x16xf32>,
        %swap3A_257 = vector.shape_cast %swap3A_256 : vector<1x16xf32> to vector<16xf32>
        %swap3A_258 = vector.shape_cast %add3A_253 : vector<16xf32> to vector<1x16xf32>
        tpu.vector_store %arg8[%swap3A_254, %swap3A_255], %swap3A_258 {strides = array<i32>} : memref<400x64xf32, #tpu.memory_space<vmem>>, vector<1x16xf32>,
        %get3A_259 = arith.index_cast %add3A_244 : i32 to index
        %get3A_260 = arith.constant 16 : index
        %get3A_261 = tpu.vector_load %arg8[%get3A_259, %get3A_260] {strides = array<i32>} : memref<400x64xf32, #tpu.memory_space<vmem>>, vector<1x16xf32>,
        %get3A_262 = vector.shape_cast %get3A_261 : vector<1x16xf32> to vector<16xf32>
        %get3A_263 = arith.index_cast %add3A_244 : i32 to index
        %get3A_264 = arith.constant 16 : index
        %get3A_265 = tpu.vector_load %arg7[%get3A_263, %get3A_264] {strides = array<i32>} : memref<400x64xf32, #tpu.memory_space<vmem>>, vector<1x16xf32>,
        %get3A_266 = vector.shape_cast %get3A_265 : vector<1x16xf32> to vector<16xf32>
        %add3A_267 = arith.addf %get3A_262, %get3A_266 : vector<16xf32>
        %swap3A_268 = arith.index_cast %add3A_244 : i32 to index
        %swap3A_269 = arith.constant 16 : index
        %swap3A_270 = tpu.vector_load %arg8[%swap3A_268, %swap3A_269] {strides = array<i32>} : memref<400x64xf32, #tpu.memory_space<vmem>>, vector<1x16xf32>,
        %swap3A_271 = vector.shape_cast %swap3A_270 : vector<1x16xf32> to vector<16xf32>
        %swap3A_272 = vector.shape_cast %add3A_267 : vector<16xf32> to vector<1x16xf32>
        tpu.vector_store %arg8[%swap3A_268, %swap3A_269], %swap3A_272 {strides = array<i32>} : memref<400x64xf32, #tpu.memory_space<vmem>>, vector<1x16xf32>,
        %get3A_273 = arith.index_cast %add3A_244 : i32 to index
        %get3A_274 = arith.constant 32 : index
        %get3A_275 = tpu.vector_load %arg8[%get3A_273, %get3A_274] {strides = array<i32>} : memref<400x64xf32, #tpu.memory_space<vmem>>, vector<1x16xf32>,
        %get3A_276 = vector.shape_cast %get3A_275 : vector<1x16xf32> to vector<16xf32>
        %get3A_277 = arith.index_cast %add3A_244 : i32 to index
        %get3A_278 = arith.constant 32 : index
        %get3A_279 = tpu.vector_load %arg7[%get3A_277, %get3A_278] {strides = array<i32>} : memref<400x64xf32, #tpu.memory_space<vmem>>, vector<1x16xf32>,
        %get3A_280 = vector.shape_cast %get3A_279 : vector<1x16xf32> to vector<16xf32>
        %add3A_281 = arith.addf %get3A_276, %get3A_280 : vector<16xf32>
        %swap3A_282 = arith.index_cast %add3A_244 : i32 to index
        %swap3A_283 = arith.constant 32 : index
        %swap3A_284 = tpu.vector_load %arg8[%swap3A_282, %swap3A_283] {strides = array<i32>} : memref<400x64xf32, #tpu.memory_space<vmem>>, vector<1x16xf32>,
        %swap3A_285 = vector.shape_cast %swap3A_284 : vector<1x16xf32> to vector<16xf32>
        %swap3A_286 = vector.shape_cast %add3A_281 : vector<16xf32> to vector<1x16xf32>
        tpu.vector_store %arg8[%swap3A_282, %swap3A_283], %swap3A_286 {strides = array<i32>} : memref<400x64xf32, #tpu.memory_space<vmem>>, vector<1x16xf32>,
        %get3A_287 = arith.index_cast %add3A_244 : i32 to index
        %get3A_288 = arith.constant 48 : index
        %get3A_289 = tpu.vector_load %arg8[%get3A_287, %get3A_288] {strides = array<i32>} : memref<400x64xf32, #tpu.memory_space<vmem>>, vector<1x16xf32>,
        %get3A_290 = vector.shape_cast %get3A_289 : vector<1x16xf32> to vector<16xf32>
        %get3A_291 = arith.index_cast %add3A_244 : i32 to index
        %get3A_292 = arith.constant 48 : index
        %get3A_293 = tpu.vector_load %arg7[%get3A_291, %get3A_292] {strides = array<i32>} : memref<400x64xf32, #tpu.memory_space<vmem>>, vector<1x16xf32>,
        %get3A_294 = vector.shape_cast %get3A_293 : vector<1x16xf32> to vector<16xf32>
        %add3A_295 = arith.addf %get3A_290, %get3A_294 : vector<16xf32>
        %swap3A_296 = arith.index_cast %add3A_244 : i32 to index
        %swap3A_297 = arith.constant 48 : index
        %swap3A_298 = tpu.vector_load %arg8[%swap3A_296, %swap3A_297] {strides = array<i32>} : memref<400x64xf32, #tpu.memory_space<vmem>>, vector<1x16xf32>,
        %swap3A_299 = vector.shape_cast %swap3A_298 : vector<1x16xf32> to vector<16xf32>
        %swap3A_300 = vector.shape_cast %add3A_295 : vector<16xf32> to vector<1x16xf32>
        tpu.vector_store %arg8[%swap3A_296, %swap3A_297], %swap3A_300 {strides = array<i32>} : memref<400x64xf32, #tpu.memory_space<vmem>>, vector<1x16xf32>,
        %scan3A_301 = arith.constant 3 : i32
        %scan3A_302 = arith.addi %scan3A_118, %scan3A_301 : i32
        %mul3A_303 = arith.constant 1 : i32
        %mul3A_304 = arith.muli %scan3A_302, %mul3A_303 : i32
        %add3A_305 = arith.constant 0 : i32
        %add3A_306 = arith.addi %add3A_305, %mul3A_304 : i32
        %get3A_307 = arith.index_cast %add3A_306 : i32 to index
        %get3A_308 = arith.constant 0 : index
        %get3A_309 = tpu.vector_load %arg8[%get3A_307, %get3A_308] {strides = array<i32>} : memref<400x64xf32, #tpu.memory_space<vmem>>, vector<1x16xf32>,
        %get3A_310 = vector.shape_cast %get3A_309 : vector<1x16xf32> to vector<16xf32>
        %get3A_311 = arith.index_cast %add3A_306 : i32 to index
        %get3A_312 = arith.constant 0 : index
        %get3A_313 = tpu.vector_load %arg7[%get3A_311, %get3A_312] {strides = array<i32>} : memref<400x64xf32, #tpu.memory_space<vmem>>, vector<1x16xf32>,
        %get3A_314 = vector.shape_cast %get3A_313 : vector<1x16xf32> to vector<16xf32>
        %add3A_315 = arith.addf %get3A_310, %get3A_314 : vector<16xf32>
        %swap3A_316 = arith.index_cast %add3A_306 : i32 to index
        %swap3A_317 = arith.constant 0 : index
        %swap3A_318 = tpu.vector_load %arg8[%swap3A_316, %swap3A_317] {strides = array<i32>} : memref<400x64xf32, #tpu.memory_space<vmem>>, vector<1x16xf32>,
        %swap3A_319 = vector.shape_cast %swap3A_318 : vector<1x16xf32> to vector<16xf32>
        %swap3A_320 = vector.shape_cast %add3A_315 : vector<16xf32> to vector<1x16xf32>
        tpu.vector_store %arg8[%swap3A_316, %swap3A_317], %swap3A_320 {strides = array<i32>} : memref<400x64xf32, #tpu.memory_space<vmem>>, vector<1x16xf32>,
        %get3A_321 = arith.index_cast %add3A_306 : i32 to index
        %get3A_322 = arith.constant 16 : index
        %get3A_323 = tpu.vector_load %arg8[%get3A_321, %get3A_322] {strides = array<i32>} : memref<400x64xf32, #tpu.memory_space<vmem>>, vector<1x16xf32>,
        %get3A_324 = vector.shape_cast %get3A_323 : vector<1x16xf32> to vector<16xf32>
        %get3A_325 = arith.index_cast %add3A_306 : i32 to index
        %get3A_326 = arith.constant 16 : index
        %get3A_327 = tpu.vector_load %arg7[%get3A_325, %get3A_326] {strides = array<i32>} : memref<400x64xf32, #tpu.memory_space<vmem>>, vector<1x16xf32>,
        %get3A_328 = vector.shape_cast %get3A_327 : vector<1x16xf32> to vector<16xf32>
        %add3A_329 = arith.addf %get3A_324, %get3A_328 : vector<16xf32>
        %swap3A_330 = arith.index_cast %add3A_306 : i32 to index
        %swap3A_331 = arith.constant 16 : index
        %swap3A_332 = tpu.vector_load %arg8[%swap3A_330, %swap3A_331] {strides = array<i32>} : memref<400x64xf32, #tpu.memory_space<vmem>>, vector<1x16xf32>,
        %swap3A_333 = vector.shape_cast %swap3A_332 : vector<1x16xf32> to vector<16xf32>
        %swap3A_334 = vector.shape_cast %add3A_329 : vector<16xf32> to vector<1x16xf32>
        tpu.vector_store %arg8[%swap3A_330, %swap3A_331], %swap3A_334 {strides = array<i32>} : memref<400x64xf32, #tpu.memory_space<vmem>>, vector<1x16xf32>,
        %get3A_335 = arith.index_cast %add3A_306 : i32 to index
        %get3A_336 = arith.constant 32 : index
        %get3A_337 = tpu.vector_load %arg8[%get3A_335, %get3A_336] {strides = array<i32>} : memref<400x64xf32, #tpu.memory_space<vmem>>, vector<1x16xf32>,
        %get3A_338 = vector.shape_cast %get3A_337 : vector<1x16xf32> to vector<16xf32>
        %get3A_339 = arith.index_cast %add3A_306 : i32 to index
        %get3A_340 = arith.constant 32 : index
        %get3A_341 = tpu.vector_load %arg7[%get3A_339, %get3A_340] {strides = array<i32>} : memref<400x64xf32, #tpu.memory_space<vmem>>, vector<1x16xf32>,
        %get3A_342 = vector.shape_cast %get3A_341 : vector<1x16xf32> to vector<16xf32>
        %add3A_343 = arith.addf %get3A_338, %get3A_342 : vector<16xf32>
        %swap3A_344 = arith.index_cast %add3A_306 : i32 to index
        %swap3A_345 = arith.constant 32 : index
        %swap3A_346 = tpu.vector_load %arg8[%swap3A_344, %swap3A_345] {strides = array<i32>} : memref<400x64xf32, #tpu.memory_space<vmem>>, vector<1x16xf32>,
        %swap3A_347 = vector.shape_cast %swap3A_346 : vector<1x16xf32> to vector<16xf32>
        %swap3A_348 = vector.shape_cast %add3A_343 : vector<16xf32> to vector<1x16xf32>
        tpu.vector_store %arg8[%swap3A_344, %swap3A_345], %swap3A_348 {strides = array<i32>} : memref<400x64xf32, #tpu.memory_space<vmem>>, vector<1x16xf32>,
        %get3A_349 = arith.index_cast %add3A_306 : i32 to index
        %get3A_350 = arith.constant 48 : index
        %get3A_351 = tpu.vector_load %arg8[%get3A_349, %get3A_350] {strides = array<i32>} : memref<400x64xf32, #tpu.memory_space<vmem>>, vector<1x16xf32>,
        %get3A_352 = vector.shape_cast %get3A_351 : vector<1x16xf32> to vector<16xf32>
        %get3A_353 = arith.index_cast %add3A_306 : i32 to index
        %get3A_354 = arith.constant 48 : index
        %get3A_355 = tpu.vector_load %arg7[%get3A_353, %get3A_354] {strides = array<i32>} : memref<400x64xf32, #tpu.memory_space<vmem>>, vector<1x16xf32>,
        %get3A_356 = vector.shape_cast %get3A_355 : vector<1x16xf32> to vector<16xf32>
        %add3A_357 = arith.addf %get3A_352, %get3A_356 : vector<16xf32>
        %swap3A_358 = arith.index_cast %add3A_306 : i32 to index
        %swap3A_359 = arith.constant 48 : index
        %swap3A_360 = tpu.vector_load %arg8[%swap3A_358, %swap3A_359] {strides = array<i32>} : memref<400x64xf32, #tpu.memory_space<vmem>>, vector<1x16xf32>,
        %swap3A_361 = vector.shape_cast %swap3A_360 : vector<1x16xf32> to vector<16xf32>
        %swap3A_362 = vector.shape_cast %add3A_357 : vector<16xf32> to vector<1x16xf32>
        tpu.vector_store %arg8[%swap3A_358, %swap3A_359], %swap3A_362 {strides = array<i32>} : memref<400x64xf32, #tpu.memory_space<vmem>>, vector<1x16xf32>,
        %scan3A_363 = arith.constant 4 : i32
        %scan3A_364 = arith.addi %scan3A_118, %scan3A_363 : i32
        %mul3A_365 = arith.constant 1 : i32
        %mul3A_366 = arith.muli %scan3A_364, %mul3A_365 : i32
        %add3A_367 = arith.constant 0 : i32
        %add3A_368 = arith.addi %add3A_367, %mul3A_366 : i32
        %get3A_369 = arith.index_cast %add3A_368 : i32 to index
        %get3A_370 = arith.constant 0 : index
        %get3A_371 = tpu.vector_load %arg8[%get3A_369, %get3A_370] {strides = array<i32>} : memref<400x64xf32, #tpu.memory_space<vmem>>, vector<1x16xf32>,
        %get3A_372 = vector.shape_cast %get3A_371 : vector<1x16xf32> to vector<16xf32>
        %get3A_373 = arith.index_cast %add3A_368 : i32 to index
        %get3A_374 = arith.constant 0 : index
        %get3A_375 = tpu.vector_load %arg7[%get3A_373, %get3A_374] {strides = array<i32>} : memref<400x64xf32, #tpu.memory_space<vmem>>, vector<1x16xf32>,
        %get3A_376 = vector.shape_cast %get3A_375 : vector<1x16xf32> to vector<16xf32>
        %add3A_377 = arith.addf %get3A_372, %get3A_376 : vector<16xf32>
        %swap3A_378 = arith.index_cast %add3A_368 : i32 to index
        %swap3A_379 = arith.constant 0 : index
        %swap3A_380 = tpu.vector_load %arg8[%swap3A_378, %swap3A_379] {strides = array<i32>} : memref<400x64xf32, #tpu.memory_space<vmem>>, vector<1x16xf32>,
        %swap3A_381 = vector.shape_cast %swap3A_380 : vector<1x16xf32> to vector<16xf32>
        %swap3A_382 = vector.shape_cast %add3A_377 : vector<16xf32> to vector<1x16xf32>
        tpu.vector_store %arg8[%swap3A_378, %swap3A_379], %swap3A_382 {strides = array<i32>} : memref<400x64xf32, #tpu.memory_space<vmem>>, vector<1x16xf32>,
        %get3A_383 = arith.index_cast %add3A_368 : i32 to index
        %get3A_384 = arith.constant 16 : index
        %get3A_385 = tpu.vector_load %arg8[%get3A_383, %get3A_384] {strides = array<i32>} : memref<400x64xf32, #tpu.memory_space<vmem>>, vector<1x16xf32>,
        %get3A_386 = vector.shape_cast %get3A_385 : vector<1x16xf32> to vector<16xf32>
        %get3A_387 = arith.index_cast %add3A_368 : i32 to index
        %get3A_388 = arith.constant 16 : index
        %get3A_389 = tpu.vector_load %arg7[%get3A_387, %get3A_388] {strides = array<i32>} : memref<400x64xf32, #tpu.memory_space<vmem>>, vector<1x16xf32>,
        %get3A_390 = vector.shape_cast %get3A_389 : vector<1x16xf32> to vector<16xf32>
        %add3A_391 = arith.addf %get3A_386, %get3A_390 : vector<16xf32>
        %swap3A_392 = arith.index_cast %add3A_368 : i32 to index
        %swap3A_393 = arith.constant 16 : index
        %swap3A_394 = tpu.vector_load %arg8[%swap3A_392, %swap3A_393] {strides = array<i32>} : memref<400x64xf32, #tpu.memory_space<vmem>>, vector<1x16xf32>,
        %swap3A_395 = vector.shape_cast %swap3A_394 : vector<1x16xf32> to vector<16xf32>
        %swap3A_396 = vector.shape_cast %add3A_391 : vector<16xf32> to vector<1x16xf32>
        tpu.vector_store %arg8[%swap3A_392, %swap3A_393], %swap3A_396 {strides = array<i32>} : memref<400x64xf32, #tpu.memory_space<vmem>>, vector<1x16xf32>,
        %get3A_397 = arith.index_cast %add3A_368 : i32 to index
        %get3A_398 = arith.constant 32 : index
        %get3A_399 = tpu.vector_load %arg8[%get3A_397, %get3A_398] {strides = array<i32>} : memref<400x64xf32, #tpu.memory_space<vmem>>, vector<1x16xf32>,
        %get3A_400 = vector.shape_cast %get3A_399 : vector<1x16xf32> to vector<16xf32>
        %get3A_401 = arith.index_cast %add3A_368 : i32 to index
        %get3A_402 = arith.constant 32 : index
        %get3A_403 = tpu.vector_load %arg7[%get3A_401, %get3A_402] {strides = array<i32>} : memref<400x64xf32, #tpu.memory_space<vmem>>, vector<1x16xf32>,
        %get3A_404 = vector.shape_cast %get3A_403 : vector<1x16xf32> to vector<16xf32>
        %add3A_405 = arith.addf %get3A_400, %get3A_404 : vector<16xf32>
        %swap3A_406 = arith.index_cast %add3A_368 : i32 to index
        %swap3A_407 = arith.constant 32 : index
        %swap3A_408 = tpu.vector_load %arg8[%swap3A_406, %swap3A_407] {strides = array<i32>} : memref<400x64xf32, #tpu.memory_space<vmem>>, vector<1x16xf32>,
        %swap3A_409 = vector.shape_cast %swap3A_408 : vector<1x16xf32> to vector<16xf32>
        %swap3A_410 = vector.shape_cast %add3A_405 : vector<16xf32> to vector<1x16xf32>
        tpu.vector_store %arg8[%swap3A_406, %swap3A_407], %swap3A_410 {strides = array<i32>} : memref<400x64xf32, #tpu.memory_space<vmem>>, vector<1x16xf32>,
        %get3A_411 = arith.index_cast %add3A_368 : i32 to index
        %get3A_412 = arith.constant 48 : index
        %get3A_413 = tpu.vector_load %arg8[%get3A_411, %get3A_412] {strides = array<i32>} : memref<400x64xf32, #tpu.memory_space<vmem>>, vector<1x16xf32>,
        %get3A_414 = vector.shape_cast %get3A_413 : vector<1x16xf32> to vector<16xf32>
        %get3A_415 = arith.index_cast %add3A_368 : i32 to index
        %get3A_416 = arith.constant 48 : index
        %get3A_417 = tpu.vector_load %arg7[%get3A_415, %get3A_416] {strides = array<i32>} : memref<400x64xf32, #tpu.memory_space<vmem>>, vector<1x16xf32>,
        %get3A_418 = vector.shape_cast %get3A_417 : vector<1x16xf32> to vector<16xf32>
        %add3A_419 = arith.addf %get3A_414, %get3A_418 : vector<16xf32>
        %swap3A_420 = arith.index_cast %add3A_368 : i32 to index
        %swap3A_421 = arith.constant 48 : index
        %swap3A_422 = tpu.vector_load %arg8[%swap3A_420, %swap3A_421] {strides = array<i32>} : memref<400x64xf32, #tpu.memory_space<vmem>>, vector<1x16xf32>,
        %swap3A_423 = vector.shape_cast %swap3A_422 : vector<1x16xf32> to vector<16xf32>
        %swap3A_424 = vector.shape_cast %add3A_419 : vector<16xf32> to vector<1x16xf32>
        tpu.vector_store %arg8[%swap3A_420, %swap3A_421], %swap3A_424 {strides = array<i32>} : memref<400x64xf32, #tpu.memory_space<vmem>>, vector<1x16xf32>,
        %scan3A_425 = arith.constant 5 : i32
        %scan3A_426 = arith.addi %scan3A_118, %scan3A_425 : i32
        %mul3A_427 = arith.constant 1 : i32
        %mul3A_428 = arith.muli %scan3A_426, %mul3A_427 : i32
        %add3A_429 = arith.constant 0 : i32
        %add3A_430 = arith.addi %add3A_429, %mul3A_428 : i32
        %get3A_431 = arith.index_cast %add3A_430 : i32 to index
        %get3A_432 = arith.constant 0 : index
        %get3A_433 = tpu.vector_load %arg8[%get3A_431, %get3A_432] {strides = array<i32>} : memref<400x64xf32, #tpu.memory_space<vmem>>, vector<1x16xf32>,
        %get3A_434 = vector.shape_cast %get3A_433 : vector<1x16xf32> to vector<16xf32>
        %get3A_435 = arith.index_cast %add3A_430 : i32 to index
        %get3A_436 = arith.constant 0 : index
        %get3A_437 = tpu.vector_load %arg7[%get3A_435, %get3A_436] {strides = array<i32>} : memref<400x64xf32, #tpu.memory_space<vmem>>, vector<1x16xf32>,
        %get3A_438 = vector.shape_cast %get3A_437 : vector<1x16xf32> to vector<16xf32>
        %add3A_439 = arith.addf %get3A_434, %get3A_438 : vector<16xf32>
        %swap3A_440 = arith.index_cast %add3A_430 : i32 to index
        %swap3A_441 = arith.constant 0 : index
        %swap3A_442 = tpu.vector_load %arg8[%swap3A_440, %swap3A_441] {strides = array<i32>} : memref<400x64xf32, #tpu.memory_space<vmem>>, vector<1x16xf32>,
        %swap3A_443 = vector.shape_cast %swap3A_442 : vector<1x16xf32> to vector<16xf32>
        %swap3A_444 = vector.shape_cast %add3A_439 : vector<16xf32> to vector<1x16xf32>
        tpu.vector_store %arg8[%swap3A_440, %swap3A_441], %swap3A_444 {strides = array<i32>} : memref<400x64xf32, #tpu.memory_space<vmem>>, vector<1x16xf32>,
        %get3A_445 = arith.index_cast %add3A_430 : i32 to index
        %get3A_446 = arith.constant 16 : index
        %get3A_447 = tpu.vector_load %arg8[%get3A_445, %get3A_446] {strides = array<i32>} : memref<400x64xf32, #tpu.memory_space<vmem>>, vector<1x16xf32>,
        %get3A_448 = vector.shape_cast %get3A_447 : vector<1x16xf32> to vector<16xf32>
        %get3A_449 = arith.index_cast %add3A_430 : i32 to index
        %get3A_450 = arith.constant 16 : index
        %get3A_451 = tpu.vector_load %arg7[%get3A_449, %get3A_450] {strides = array<i32>} : memref<400x64xf32, #tpu.memory_space<vmem>>, vector<1x16xf32>,
        %get3A_452 = vector.shape_cast %get3A_451 : vector<1x16xf32> to vector<16xf32>
        %add3A_453 = arith.addf %get3A_448, %get3A_452 : vector<16xf32>
        %swap3A_454 = arith.index_cast %add3A_430 : i32 to index
        %swap3A_455 = arith.constant 16 : index
        %swap3A_456 = tpu.vector_load %arg8[%swap3A_454, %swap3A_455] {strides = array<i32>} : memref<400x64xf32, #tpu.memory_space<vmem>>, vector<1x16xf32>,
        %swap3A_457 = vector.shape_cast %swap3A_456 : vector<1x16xf32> to vector<16xf32>
        %swap3A_458 = vector.shape_cast %add3A_453 : vector<16xf32> to vector<1x16xf32>
        tpu.vector_store %arg8[%swap3A_454, %swap3A_455], %swap3A_458 {strides = array<i32>} : memref<400x64xf32, #tpu.memory_space<vmem>>, vector<1x16xf32>,
        %get3A_459 = arith.index_cast %add3A_430 : i32 to index
        %get3A_460 = arith.constant 32 : index
        %get3A_461 = tpu.vector_load %arg8[%get3A_459, %get3A_460] {strides = array<i32>} : memref<400x64xf32, #tpu.memory_space<vmem>>, vector<1x16xf32>,
        %get3A_462 = vector.shape_cast %get3A_461 : vector<1x16xf32> to vector<16xf32>
        %get3A_463 = arith.index_cast %add3A_430 : i32 to index
        %get3A_464 = arith.constant 32 : index
        %get3A_465 = tpu.vector_load %arg7[%get3A_463, %get3A_464] {strides = array<i32>} : memref<400x64xf32, #tpu.memory_space<vmem>>, vector<1x16xf32>,
        %get3A_466 = vector.shape_cast %get3A_465 : vector<1x16xf32> to vector<16xf32>
        %add3A_467 = arith.addf %get3A_462, %get3A_466 : vector<16xf32>
        %swap3A_468 = arith.index_cast %add3A_430 : i32 to index
        %swap3A_469 = arith.constant 32 : index
        %swap3A_470 = tpu.vector_load %arg8[%swap3A_468, %swap3A_469] {strides = array<i32>} : memref<400x64xf32, #tpu.memory_space<vmem>>, vector<1x16xf32>,
        %swap3A_471 = vector.shape_cast %swap3A_470 : vector<1x16xf32> to vector<16xf32>
        %swap3A_472 = vector.shape_cast %add3A_467 : vector<16xf32> to vector<1x16xf32>
        tpu.vector_store %arg8[%swap3A_468, %swap3A_469], %swap3A_472 {strides = array<i32>} : memref<400x64xf32, #tpu.memory_space<vmem>>, vector<1x16xf32>,
        %get3A_473 = arith.index_cast %add3A_430 : i32 to index
        %get3A_474 = arith.constant 48 : index
        %get3A_475 = tpu.vector_load %arg8[%get3A_473, %get3A_474] {strides = array<i32>} : memref<400x64xf32, #tpu.memory_space<vmem>>, vector<1x16xf32>,
        %get3A_476 = vector.shape_cast %get3A_475 : vector<1x16xf32> to vector<16xf32>
        %get3A_477 = arith.index_cast %add3A_430 : i32 to index
        %get3A_478 = arith.constant 48 : index
        %get3A_479 = tpu.vector_load %arg7[%get3A_477, %get3A_478] {strides = array<i32>} : memref<400x64xf32, #tpu.memory_space<vmem>>, vector<1x16xf32>,
        %get3A_480 = vector.shape_cast %get3A_479 : vector<1x16xf32> to vector<16xf32>
        %add3A_481 = arith.addf %get3A_476, %get3A_480 : vector<16xf32>
        %swap3A_482 = arith.index_cast %add3A_430 : i32 to index
        %swap3A_483 = arith.constant 48 : index
        %swap3A_484 = tpu.vector_load %arg8[%swap3A_482, %swap3A_483] {strides = array<i32>} : memref<400x64xf32, #tpu.memory_space<vmem>>, vector<1x16xf32>,
        %swap3A_485 = vector.shape_cast %swap3A_484 : vector<1x16xf32> to vector<16xf32>
        %swap3A_486 = vector.shape_cast %add3A_481 : vector<16xf32> to vector<1x16xf32>
        tpu.vector_store %arg8[%swap3A_482, %swap3A_483], %swap3A_486 {strides = array<i32>} : memref<400x64xf32, #tpu.memory_space<vmem>>, vector<1x16xf32>,
        %scan3A_487 = arith.constant 6 : i32
        %scan3A_488 = arith.addi %scan3A_118, %scan3A_487 : i32
        %mul3A_489 = arith.constant 1 : i32
        %mul3A_490 = arith.muli %scan3A_488, %mul3A_489 : i32
        %add3A_491 = arith.constant 0 : i32
        %add3A_492 = arith.addi %add3A_491, %mul3A_490 : i32
        %get3A_493 = arith.index_cast %add3A_492 : i32 to index
        %get3A_494 = arith.constant 0 : index
        %get3A_495 = tpu.vector_load %arg8[%get3A_493, %get3A_494] {strides = array<i32>} : memref<400x64xf32, #tpu.memory_space<vmem>>, vector<1x16xf32>,
        %get3A_496 = vector.shape_cast %get3A_495 : vector<1x16xf32> to vector<16xf32>
        %get3A_497 = arith.index_cast %add3A_492 : i32 to index
        %get3A_498 = arith.constant 0 : index
        %get3A_499 = tpu.vector_load %arg7[%get3A_497, %get3A_498] {strides = array<i32>} : memref<400x64xf32, #tpu.memory_space<vmem>>, vector<1x16xf32>,
        %get3A_500 = vector.shape_cast %get3A_499 : vector<1x16xf32> to vector<16xf32>
        %add3A_501 = arith.addf %get3A_496, %get3A_500 : vector<16xf32>
        %swap3A_502 = arith.index_cast %add3A_492 : i32 to index
        %swap3A_503 = arith.constant 0 : index
        %swap3A_504 = tpu.vector_load %arg8[%swap3A_502, %swap3A_503] {strides = array<i32>} : memref<400x64xf32, #tpu.memory_space<vmem>>, vector<1x16xf32>,
        %swap3A_505 = vector.shape_cast %swap3A_504 : vector<1x16xf32> to vector<16xf32>
        %swap3A_506 = vector.shape_cast %add3A_501 : vector<16xf32> to vector<1x16xf32>
        tpu.vector_store %arg8[%swap3A_502, %swap3A_503], %swap3A_506 {strides = array<i32>} : memref<400x64xf32, #tpu.memory_space<vmem>>, vector<1x16xf32>,
        %get3A_507 = arith.index_cast %add3A_492 : i32 to index
        %get3A_508 = arith.constant 16 : index
        %get3A_509 = tpu.vector_load %arg8[%get3A_507, %get3A_508] {strides = array<i32>} : memref<400x64xf32, #tpu.memory_space<vmem>>, vector<1x16xf32>,
        %get3A_510 = vector.shape_cast %get3A_509 : vector<1x16xf32> to vector<16xf32>
        %get3A_511 = arith.index_cast %add3A_492 : i32 to index
        %get3A_512 = arith.constant 16 : index
        %get3A_513 = tpu.vector_load %arg7[%get3A_511, %get3A_512] {strides = array<i32>} : memref<400x64xf32, #tpu.memory_space<vmem>>, vector<1x16xf32>,
        %get3A_514 = vector.shape_cast %get3A_513 : vector<1x16xf32> to vector<16xf32>
        %add3A_515 = arith.addf %get3A_510, %get3A_514 : vector<16xf32>
        %swap3A_516 = arith.index_cast %add3A_492 : i32 to index
        %swap3A_517 = arith.constant 16 : index
        %swap3A_518 = tpu.vector_load %arg8[%swap3A_516, %swap3A_517] {strides = array<i32>} : memref<400x64xf32, #tpu.memory_space<vmem>>, vector<1x16xf32>,
        %swap3A_519 = vector.shape_cast %swap3A_518 : vector<1x16xf32> to vector<16xf32>
        %swap3A_520 = vector.shape_cast %add3A_515 : vector<16xf32> to vector<1x16xf32>
        tpu.vector_store %arg8[%swap3A_516, %swap3A_517], %swap3A_520 {strides = array<i32>} : memref<400x64xf32, #tpu.memory_space<vmem>>, vector<1x16xf32>,
        %get3A_521 = arith.index_cast %add3A_492 : i32 to index
        %get3A_522 = arith.constant 32 : index
        %get3A_523 = tpu.vector_load %arg8[%get3A_521, %get3A_522] {strides = array<i32>} : memref<400x64xf32, #tpu.memory_space<vmem>>, vector<1x16xf32>,
        %get3A_524 = vector.shape_cast %get3A_523 : vector<1x16xf32> to vector<16xf32>
        %get3A_525 = arith.index_cast %add3A_492 : i32 to index
        %get3A_526 = arith.constant 32 : index
        %get3A_527 = tpu.vector_load %arg7[%get3A_525, %get3A_526] {strides = array<i32>} : memref<400x64xf32, #tpu.memory_space<vmem>>, vector<1x16xf32>,
        %get3A_528 = vector.shape_cast %get3A_527 : vector<1x16xf32> to vector<16xf32>
        %add3A_529 = arith.addf %get3A_524, %get3A_528 : vector<16xf32>
        %swap3A_530 = arith.index_cast %add3A_492 : i32 to index
        %swap3A_531 = arith.constant 32 : index
        %swap3A_532 = tpu.vector_load %arg8[%swap3A_530, %swap3A_531] {strides = array<i32>} : memref<400x64xf32, #tpu.memory_space<vmem>>, vector<1x16xf32>,
        %swap3A_533 = vector.shape_cast %swap3A_532 : vector<1x16xf32> to vector<16xf32>
        %swap3A_534 = vector.shape_cast %add3A_529 : vector<16xf32> to vector<1x16xf32>
        tpu.vector_store %arg8[%swap3A_530, %swap3A_531], %swap3A_534 {strides = array<i32>} : memref<400x64xf32, #tpu.memory_space<vmem>>, vector<1x16xf32>,
        %get3A_535 = arith.index_cast %add3A_492 : i32 to index
        %get3A_536 = arith.constant 48 : index
        %get3A_537 = tpu.vector_load %arg8[%get3A_535, %get3A_536] {strides = array<i32>} : memref<400x64xf32, #tpu.memory_space<vmem>>, vector<1x16xf32>,
        %get3A_538 = vector.shape_cast %get3A_537 : vector<1x16xf32> to vector<16xf32>
        %get3A_539 = arith.index_cast %add3A_492 : i32 to index
        %get3A_540 = arith.constant 48 : index
        %get3A_541 = tpu.vector_load %arg7[%get3A_539, %get3A_540] {strides = array<i32>} : memref<400x64xf32, #tpu.memory_space<vmem>>, vector<1x16xf32>,
        %get3A_542 = vector.shape_cast %get3A_541 : vector<1x16xf32> to vector<16xf32>
        %add3A_543 = arith.addf %get3A_538, %get3A_542 : vector<16xf32>
        %swap3A_544 = arith.index_cast %add3A_492 : i32 to index
        %swap3A_545 = arith.constant 48 : index
        %swap3A_546 = tpu.vector_load %arg8[%swap3A_544, %swap3A_545] {strides = array<i32>} : memref<400x64xf32, #tpu.memory_space<vmem>>, vector<1x16xf32>,
        %swap3A_547 = vector.shape_cast %swap3A_546 : vector<1x16xf32> to vector<16xf32>
        %swap3A_548 = vector.shape_cast %add3A_543 : vector<16xf32> to vector<1x16xf32>
        tpu.vector_store %arg8[%swap3A_544, %swap3A_545], %swap3A_548 {strides = array<i32>} : memref<400x64xf32, #tpu.memory_space<vmem>>, vector<1x16xf32>,
        %scan3A_549 = arith.constant 7 : i32
        %scan3A_550 = arith.addi %scan3A_118, %scan3A_549 : i32
        %mul3A_551 = arith.constant 1 : i32
        %mul3A_552 = arith.muli %scan3A_550, %mul3A_551 : i32
        %add3A_553 = arith.constant 0 : i32
        %add3A_554 = arith.addi %add3A_553, %mul3A_552 : i32
        %get3A_555 = arith.index_cast %add3A_554 : i32 to index
        %get3A_556 = arith.constant 0 : index
        %get3A_557 = tpu.vector_load %arg8[%get3A_555, %get3A_556] {strides = array<i32>} : memref<400x64xf32, #tpu.memory_space<vmem>>, vector<1x16xf32>,
        %get3A_558 = vector.shape_cast %get3A_557 : vector<1x16xf32> to vector<16xf32>
        %get3A_559 = arith.index_cast %add3A_554 : i32 to index
        %get3A_560 = arith.constant 0 : index
        %get3A_561 = tpu.vector_load %arg7[%get3A_559, %get3A_560] {strides = array<i32>} : memref<400x64xf32, #tpu.memory_space<vmem>>, vector<1x16xf32>,
        %get3A_562 = vector.shape_cast %get3A_561 : vector<1x16xf32> to vector<16xf32>
        %add3A_563 = arith.addf %get3A_558, %get3A_562 : vector<16xf32>
        %swap3A_564 = arith.index_cast %add3A_554 : i32 to index
        %swap3A_565 = arith.constant 0 : index
        %swap3A_566 = tpu.vector_load %arg8[%swap3A_564, %swap3A_565] {strides = array<i32>} : memref<400x64xf32, #tpu.memory_space<vmem>>, vector<1x16xf32>,
        %swap3A_567 = vector.shape_cast %swap3A_566 : vector<1x16xf32> to vector<16xf32>
        %swap3A_568 = vector.shape_cast %add3A_563 : vector<16xf32> to vector<1x16xf32>
        tpu.vector_store %arg8[%swap3A_564, %swap3A_565], %swap3A_568 {strides = array<i32>} : memref<400x64xf32, #tpu.memory_space<vmem>>, vector<1x16xf32>,
        %get3A_569 = arith.index_cast %add3A_554 : i32 to index
        %get3A_570 = arith.constant 16 : index
        %get3A_571 = tpu.vector_load %arg8[%get3A_569, %get3A_570] {strides = array<i32>} : memref<400x64xf32, #tpu.memory_space<vmem>>, vector<1x16xf32>,
        %get3A_572 = vector.shape_cast %get3A_571 : vector<1x16xf32> to vector<16xf32>
        %get3A_573 = arith.index_cast %add3A_554 : i32 to index
        %get3A_574 = arith.constant 16 : index
        %get3A_575 = tpu.vector_load %arg7[%get3A_573, %get3A_574] {strides = array<i32>} : memref<400x64xf32, #tpu.memory_space<vmem>>, vector<1x16xf32>,
        %get3A_576 = vector.shape_cast %get3A_575 : vector<1x16xf32> to vector<16xf32>
        %add3A_577 = arith.addf %get3A_572, %get3A_576 : vector<16xf32>
        %swap3A_578 = arith.index_cast %add3A_554 : i32 to index
        %swap3A_579 = arith.constant 16 : index
        %swap3A_580 = tpu.vector_load %arg8[%swap3A_578, %swap3A_579] {strides = array<i32>} : memref<400x64xf32, #tpu.memory_space<vmem>>, vector<1x16xf32>,
        %swap3A_581 = vector.shape_cast %swap3A_580 : vector<1x16xf32> to vector<16xf32>
        %swap3A_582 = vector.shape_cast %add3A_577 : vector<16xf32> to vector<1x16xf32>
        tpu.vector_store %arg8[%swap3A_578, %swap3A_579], %swap3A_582 {strides = array<i32>} : memref<400x64xf32, #tpu.memory_space<vmem>>, vector<1x16xf32>,
        %get3A_583 = arith.index_cast %add3A_554 : i32 to index
        %get3A_584 = arith.constant 32 : index
        %get3A_585 = tpu.vector_load %arg8[%get3A_583, %get3A_584] {strides = array<i32>} : memref<400x64xf32, #tpu.memory_space<vmem>>, vector<1x16xf32>,
        %get3A_586 = vector.shape_cast %get3A_585 : vector<1x16xf32> to vector<16xf32>
        %get3A_587 = arith.index_cast %add3A_554 : i32 to index
        %get3A_588 = arith.constant 32 : index
        %get3A_589 = tpu.vector_load %arg7[%get3A_587, %get3A_588] {strides = array<i32>} : memref<400x64xf32, #tpu.memory_space<vmem>>, vector<1x16xf32>,
        %get3A_590 = vector.shape_cast %get3A_589 : vector<1x16xf32> to vector<16xf32>
        %add3A_591 = arith.addf %get3A_586, %get3A_590 : vector<16xf32>
        %swap3A_592 = arith.index_cast %add3A_554 : i32 to index
        %swap3A_593 = arith.constant 32 : index
        %swap3A_594 = tpu.vector_load %arg8[%swap3A_592, %swap3A_593] {strides = array<i32>} : memref<400x64xf32, #tpu.memory_space<vmem>>, vector<1x16xf32>,
        %swap3A_595 = vector.shape_cast %swap3A_594 : vector<1x16xf32> to vector<16xf32>
        %swap3A_596 = vector.shape_cast %add3A_591 : vector<16xf32> to vector<1x16xf32>
        tpu.vector_store %arg8[%swap3A_592, %swap3A_593], %swap3A_596 {strides = array<i32>} : memref<400x64xf32, #tpu.memory_space<vmem>>, vector<1x16xf32>,
        %get3A_597 = arith.index_cast %add3A_554 : i32 to index
        %get3A_598 = arith.constant 48 : index
        %get3A_599 = tpu.vector_load %arg8[%get3A_597, %get3A_598] {strides = array<i32>} : memref<400x64xf32, #tpu.memory_space<vmem>>, vector<1x16xf32>,
        %get3A_600 = vector.shape_cast %get3A_599 : vector<1x16xf32> to vector<16xf32>
        %get3A_601 = arith.index_cast %add3A_554 : i32 to index
        %get3A_602 = arith.constant 48 : index
        %get3A_603 = tpu.vector_load %arg7[%get3A_601, %get3A_602] {strides = array<i32>} : memref<400x64xf32, #tpu.memory_space<vmem>>, vector<1x16xf32>,
        %get3A_604 = vector.shape_cast %get3A_603 : vector<1x16xf32> to vector<16xf32>
        %add3A_605 = arith.addf %get3A_600, %get3A_604 : vector<16xf32>
        %swap3A_606 = arith.index_cast %add3A_554 : i32 to index
        %swap3A_607 = arith.constant 48 : index
        %swap3A_608 = tpu.vector_load %arg8[%swap3A_606, %swap3A_607] {strides = array<i32>} : memref<400x64xf32, #tpu.memory_space<vmem>>, vector<1x16xf32>,
        %swap3A_609 = vector.shape_cast %swap3A_608 : vector<1x16xf32> to vector<16xf32>
        %swap3A_610 = vector.shape_cast %add3A_605 : vector<16xf32> to vector<1x16xf32>
        tpu.vector_store %arg8[%swap3A_606, %swap3A_607], %swap3A_610 {strides = array<i32>} : memref<400x64xf32, #tpu.memory_space<vmem>>, vector<1x16xf32>,
      }
      %scan3A_78 = arith.constant 400 : i32
      %mul3A_79 = arith.constant 400 : i32
      %mul3A_80 = arith.muli %add3A_59, %mul3A_79 : i32
      %add3A_81 = arith.addi %mul3A_4, %mul3A_80 : i32
      %dma_start3A_82 = arith.constant 0 : i32
      %dma_start3A_83 = tpu.memref_slice %arg5[%add3A_81, %dma_start3A_82] : memref<204800x128xf32, #tpu.memory_space<hbm>> -> memref<400x64xf32, #tpu.memory_space<hbm>>
      %dma_start3A_84 = arith.constant 0 : i32
      %dma_start3A_85 = tpu.memref_slice %arg5[%add3A_81, %dma_start3A_84] : memref<204800x128xf32, #tpu.memory_space<hbm>> -> memref<400x64xf32, #tpu.memory_space<hbm>>
      tpu.enqueue_dma source(%arg8 : memref<400x64xf32, #tpu.memory_space<vmem>>) target(%dma_start3A_85 : memref<400x64xf32, #tpu.memory_space<hbm>>) target_semaphore(%arg12 : memref<!tpu.dma_semaphore, #tpu.memory_space<semaphore_mem>>)
      %add3A_86 = arith.constant 1 : i32
      %add3A_87 = arith.addi %add3A_57, %add3A_86 : i32
      %ge3A_88 = arith.constant 1 : i32
      %ge3A_89 = arith.cmpi sge, %add3A_87, %ge3A_88 : i32
      %convert_element_type3A_90 = arith.extui %ge3A_89 : i1 to i32
      %cond3A_91 = arith.constant 0 : i32
      %cond3A_92 = arith.cmpi ne, %convert_element_type3A_90, %cond3A_91 : i32
      scf.if %cond3A_92 {
        %dma_wait3A_118 = arith.constant 0 : i32
        %dma_wait3A_119 = arith.constant 0 : i32
        %dma_wait3A_120 = tpu.memref_slice %arg5[%dma_wait3A_118, %dma_wait3A_119] : memref<204800x128xf32, #tpu.memory_space<hbm>> -> memref<400x64xf32, #tpu.memory_space<hbm>>
        %dma_wait3A_121 = arith.constant 0 : i32
        %dma_wait3A_122 = arith.constant 0 : i32
        %dma_wait3A_123 = tpu.memref_slice %arg5[%dma_wait3A_121, %dma_wait3A_122] : memref<204800x128xf32, #tpu.memory_space<hbm>> -> memref<400x64xf32, #tpu.memory_space<hbm>>
        tpu.wait_dma2 semaphore(%arg12 : memref<!tpu.dma_semaphore, #tpu.memory_space<semaphore_mem>>) src(%arg8 : memref<400x64xf32, #tpu.memory_space<vmem>>) dst(%dma_wait3A_123 : memref<400x64xf32, #tpu.memory_space<hbm>>)
      } else {
      }
      %add3A_93 = arith.constant 1 : i32
      %add3A_94 = arith.addi %add3A_87, %add3A_93 : i32
      %lt3A_95 = arith.constant 16 : i32
      %lt3A_96 = arith.cmpi slt, %add3A_94, %lt3A_95 : i32
      %convert_element_type3A_97 = arith.extui %lt3A_96 : i1 to i32
      %cond3A_98 = arith.constant 0 : i32
      %cond3A_99 = arith.cmpi ne, %convert_element_type3A_97, %cond3A_98 : i32
      scf.if %cond3A_99 {
        %add3A_118 = arith.constant 1 : i32
        %add3A_119 = arith.addi %add3A_87, %add3A_118 : i32
        %mul3A_120 = arith.constant 2 : i32
        %mul3A_121 = arith.muli %add3A_119, %mul3A_120 : i32
        %add3A_122 = arith.constant 0 : i32
        %add3A_123 = arith.addi %mul3A_121, %add3A_122 : i32
        %dma_start3A_124 = arith.constant 0 : i32
        %dma_start3A_125 = arith.constant 0 : i32
        %dma_start3A_126 = tpu.memref_slice %arg8[%dma_start3A_124, %dma_start3A_125] : memref<400x64xf32, #tpu.memory_space<vmem>> -> memref<128x64xf32, #tpu.memory_space<vmem>>
        %dma_start3A_127 = arith.constant 0 : i32
        %dma_start3A_128 = tpu.memref_slice %arg6[%add3A_123, %dma_start3A_127] : memref<32x200xi32, #tpu.memory_space<vmem>> -> memref<1x128xi32, #tpu.memory_space<vmem>>
        %dma_start3A_129 = tpu.memref_squeeze %dma_start3A_128 : memref<1x128xi32, #tpu.memory_space<vmem>> -> memref<128xi32, #tpu.memory_space<vmem>>
        %dma_start3A_130 = arith.constant 0 : i32
        %dma_start3A_131 = arith.constant 0 : i32
        %dma_start3A_132 = tpu.memref_slice %arg3[%dma_start3A_130, %dma_start3A_131] : memref<1015808x64xf32, #tpu.memory_space<hbm>> -> memref<1015808x64xf32, #tpu.memory_space<hbm>>
        tpu.enqueue_indirect_dma source(%dma_start3A_132 : memref<1015808x64xf32, #tpu.memory_space<hbm>>) target(%dma_start3A_126 : memref<128x64xf32, #tpu.memory_space<vmem>>) offsets(%dma_start3A_129 : memref<128xi32, #tpu.memory_space<vmem>>) semaphore(%arg10 : memref<!tpu.dma_semaphore, #tpu.memory_space<semaphore_mem>>)
        %dma_start3A_133 = arith.constant 128 : i32
        %dma_start3A_134 = arith.constant 0 : i32
        %dma_start3A_135 = tpu.memref_slice %arg8[%dma_start3A_133, %dma_start3A_134] : memref<400x64xf32, #tpu.memory_space<vmem>> -> memref<72x64xf32, #tpu.memory_space<vmem>>
        %dma_start3A_136 = arith.constant 128 : i32
        %dma_start3A_137 = tpu.memref_slice %arg6[%add3A_123, %dma_start3A_136] : memref<32x200xi32, #tpu.memory_space<vmem>> -> memref<1x72xi32, #tpu.memory_space<vmem>>
        %dma_start3A_138 = tpu.memref_squeeze %dma_start3A_137 : memref<1x72xi32, #tpu.memory_space<vmem>> -> memref<72xi32, #tpu.memory_space<vmem>>
        %dma_start3A_139 = arith.constant 0 : i32
        %dma_start3A_140 = arith.constant 0 : i32
        %dma_start3A_141 = tpu.memref_slice %arg3[%dma_start3A_139, %dma_start3A_140] : memref<1015808x64xf32, #tpu.memory_space<hbm>> -> memref<1015808x64xf32, #tpu.memory_space<hbm>>
        tpu.enqueue_indirect_dma source(%dma_start3A_141 : memref<1015808x64xf32, #tpu.memory_space<hbm>>) target(%dma_start3A_135 : memref<72x64xf32, #tpu.memory_space<vmem>>) offsets(%dma_start3A_138 : memref<72xi32, #tpu.memory_space<vmem>>) semaphore(%arg10 : memref<!tpu.dma_semaphore, #tpu.memory_space<semaphore_mem>>)
        %mul3A_142 = arith.constant 2 : i32
        %mul3A_143 = arith.muli %add3A_119, %mul3A_142 : i32
        %add3A_144 = arith.constant 1 : i32
        %add3A_145 = arith.addi %mul3A_143, %add3A_144 : i32
        %dma_start3A_146 = arith.constant 200 : i32
        %dma_start3A_147 = arith.constant 0 : i32
        %dma_start3A_148 = tpu.memref_slice %arg8[%dma_start3A_146, %dma_start3A_147] : memref<400x64xf32, #tpu.memory_space<vmem>> -> memref<128x64xf32, #tpu.memory_space<vmem>>
        %dma_start3A_149 = arith.constant 0 : i32
        %dma_start3A_150 = tpu.memref_slice %arg6[%add3A_145, %dma_start3A_149] : memref<32x200xi32, #tpu.memory_space<vmem>> -> memref<1x128xi32, #tpu.memory_space<vmem>>
        %dma_start3A_151 = tpu.memref_squeeze %dma_start3A_150 : memref<1x128xi32, #tpu.memory_space<vmem>> -> memref<128xi32, #tpu.memory_space<vmem>>
        %dma_start3A_152 = arith.constant 0 : i32
        %dma_start3A_153 = arith.constant 0 : i32
        %dma_start3A_154 = tpu.memref_slice %arg3[%dma_start3A_152, %dma_start3A_153] : memref<1015808x64xf32, #tpu.memory_space<hbm>> -> memref<1015808x64xf32, #tpu.memory_space<hbm>>
        tpu.enqueue_indirect_dma source(%dma_start3A_154 : memref<1015808x64xf32, #tpu.memory_space<hbm>>) target(%dma_start3A_148 : memref<128x64xf32, #tpu.memory_space<vmem>>) offsets(%dma_start3A_151 : memref<128xi32, #tpu.memory_space<vmem>>) semaphore(%arg10 : memref<!tpu.dma_semaphore, #tpu.memory_space<semaphore_mem>>)
        %dma_start3A_155 = arith.constant 328 : i32
        %dma_start3A_156 = arith.constant 0 : i32
        %dma_start3A_157 = tpu.memref_slice %arg8[%dma_start3A_155, %dma_start3A_156] : memref<400x64xf32, #tpu.memory_space<vmem>> -> memref<72x64xf32, #tpu.memory_space<vmem>>
        %dma_start3A_158 = arith.constant 128 : i32
        %dma_start3A_159 = tpu.memref_slice %arg6[%add3A_145, %dma_start3A_158] : memref<32x200xi32, #tpu.memory_space<vmem>> -> memref<1x72xi32, #tpu.memory_space<vmem>>
        %dma_start3A_160 = tpu.memref_squeeze %dma_start3A_159 : memref<1x72xi32, #tpu.memory_space<vmem>> -> memref<72xi32, #tpu.memory_space<vmem>>
        %dma_start3A_161 = arith.constant 0 : i32
        %dma_start3A_162 = arith.constant 0 : i32
        %dma_start3A_163 = tpu.memref_slice %arg3[%dma_start3A_161, %dma_start3A_162] : memref<1015808x64xf32, #tpu.memory_space<hbm>> -> memref<1015808x64xf32, #tpu.memory_space<hbm>>
        tpu.enqueue_indirect_dma source(%dma_start3A_163 : memref<1015808x64xf32, #tpu.memory_space<hbm>>) target(%dma_start3A_157 : memref<72x64xf32, #tpu.memory_space<vmem>>) offsets(%dma_start3A_160 : memref<72xi32, #tpu.memory_space<vmem>>) semaphore(%arg10 : memref<!tpu.dma_semaphore, #tpu.memory_space<semaphore_mem>>)
      } else {
      }
      %dma_wait3A_100 = arith.constant 0 : i32
      %dma_wait3A_101 = arith.constant 0 : i32
      %dma_wait3A_102 = tpu.memref_slice %arg3[%dma_wait3A_100, %dma_wait3A_101] : memref<1015808x64xf32, #tpu.memory_space<hbm>> -> memref<400x64xf32, #tpu.memory_space<hbm>>
      %dma_wait3A_103 = arith.constant 0 : i32
      %dma_wait3A_104 = arith.constant 0 : i32
      %dma_wait3A_105 = tpu.memref_slice %arg3[%dma_wait3A_103, %dma_wait3A_104] : memref<1015808x64xf32, #tpu.memory_space<hbm>> -> memref<400x64xf32, #tpu.memory_space<hbm>>
      tpu.wait_dma2 semaphore(%arg11 : memref<!tpu.dma_semaphore, #tpu.memory_space<semaphore_mem>>) src(%dma_wait3A_105 : memref<400x64xf32, #tpu.memory_space<hbm>>) dst(%arg9 : memref<400x64xf32, #tpu.memory_space<vmem>>)
      %scan3A_106 = arith.constant 0 : i32
      %scan3A_107 = arith.constant 400 : i32
      %scan3A_108 = arith.addi %scan3A_106, %scan3A_107 : i32
      %scan3A_109 = arith.constant 8 : i32
      scf.for %scan3A_118 = %scan3A_106 to %scan3A_108 step %scan3A_109  : i32 {
        %mul3A_119 = arith.constant 1 : i32
        %mul3A_120 = arith.muli %scan3A_118, %mul3A_119 : i32
        %add3A_121 = arith.constant 0 : i32
        %add3A_122 = arith.addi %add3A_121, %mul3A_120 : i32
        %get3A = arith.index_cast %add3A_122 : i32 to index
        %get3A_123 = arith.constant 0 : index
        %get3A_124 = tpu.vector_load %arg9[%get3A, %get3A_123] {strides = array<i32>} : memref<400x64xf32, #tpu.memory_space<vmem>>, vector<1x16xf32>,
        %get3A_125 = vector.shape_cast %get3A_124 : vector<1x16xf32> to vector<16xf32>
        %get3A_126 = arith.index_cast %add3A_122 : i32 to index
        %get3A_127 = arith.constant 0 : index
        %get3A_128 = tpu.vector_load %arg7[%get3A_126, %get3A_127] {strides = array<i32>} : memref<400x64xf32, #tpu.memory_space<vmem>>, vector<1x16xf32>,
        %get3A_129 = vector.shape_cast %get3A_128 : vector<1x16xf32> to vector<16xf32>
        %add3A_130 = arith.addf %get3A_125, %get3A_129 : vector<16xf32>
        %swap3A = arith.index_cast %add3A_122 : i32 to index
        %swap3A_131 = arith.constant 0 : index
        %swap3A_132 = tpu.vector_load %arg9[%swap3A, %swap3A_131] {strides = array<i32>} : memref<400x64xf32, #tpu.memory_space<vmem>>, vector<1x16xf32>,
        %swap3A_133 = vector.shape_cast %swap3A_132 : vector<1x16xf32> to vector<16xf32>
        %swap3A_134 = vector.shape_cast %add3A_130 : vector<16xf32> to vector<1x16xf32>
        tpu.vector_store %arg9[%swap3A, %swap3A_131], %swap3A_134 {strides = array<i32>} : memref<400x64xf32, #tpu.memory_space<vmem>>, vector<1x16xf32>,
        %get3A_135 = arith.index_cast %add3A_122 : i32 to index
        %get3A_136 = arith.constant 16 : index
        %get3A_137 = tpu.vector_load %arg9[%get3A_135, %get3A_136] {strides = array<i32>} : memref<400x64xf32, #tpu.memory_space<vmem>>, vector<1x16xf32>,
        %get3A_138 = vector.shape_cast %get3A_137 : vector<1x16xf32> to vector<16xf32>
        %get3A_139 = arith.index_cast %add3A_122 : i32 to index
        %get3A_140 = arith.constant 16 : index
        %get3A_141 = tpu.vector_load %arg7[%get3A_139, %get3A_140] {strides = array<i32>} : memref<400x64xf32, #tpu.memory_space<vmem>>, vector<1x16xf32>,
        %get3A_142 = vector.shape_cast %get3A_141 : vector<1x16xf32> to vector<16xf32>
        %add3A_143 = arith.addf %get3A_138, %get3A_142 : vector<16xf32>
        %swap3A_144 = arith.index_cast %add3A_122 : i32 to index
        %swap3A_145 = arith.constant 16 : index
        %swap3A_146 = tpu.vector_load %arg9[%swap3A_144, %swap3A_145] {strides = array<i32>} : memref<400x64xf32, #tpu.memory_space<vmem>>, vector<1x16xf32>,
        %swap3A_147 = vector.shape_cast %swap3A_146 : vector<1x16xf32> to vector<16xf32>
        %swap3A_148 = vector.shape_cast %add3A_143 : vector<16xf32> to vector<1x16xf32>
        tpu.vector_store %arg9[%swap3A_144, %swap3A_145], %swap3A_148 {strides = array<i32>} : memref<400x64xf32, #tpu.memory_space<vmem>>, vector<1x16xf32>,
        %get3A_149 = arith.index_cast %add3A_122 : i32 to index
        %get3A_150 = arith.constant 32 : index
        %get3A_151 = tpu.vector_load %arg9[%get3A_149, %get3A_150] {strides = array<i32>} : memref<400x64xf32, #tpu.memory_space<vmem>>, vector<1x16xf32>,
        %get3A_152 = vector.shape_cast %get3A_151 : vector<1x16xf32> to vector<16xf32>
        %get3A_153 = arith.index_cast %add3A_122 : i32 to index
        %get3A_154 = arith.constant 32 : index
        %get3A_155 = tpu.vector_load %arg7[%get3A_153, %get3A_154] {strides = array<i32>} : memref<400x64xf32, #tpu.memory_space<vmem>>, vector<1x16xf32>,
        %get3A_156 = vector.shape_cast %get3A_155 : vector<1x16xf32> to vector<16xf32>
        %add3A_157 = arith.addf %get3A_152, %get3A_156 : vector<16xf32>
        %swap3A_158 = arith.index_cast %add3A_122 : i32 to index
        %swap3A_159 = arith.constant 32 : index
        %swap3A_160 = tpu.vector_load %arg9[%swap3A_158, %swap3A_159] {strides = array<i32>} : memref<400x64xf32, #tpu.memory_space<vmem>>, vector<1x16xf32>,
        %swap3A_161 = vector.shape_cast %swap3A_160 : vector<1x16xf32> to vector<16xf32>
        %swap3A_162 = vector.shape_cast %add3A_157 : vector<16xf32> to vector<1x16xf32>
        tpu.vector_store %arg9[%swap3A_158, %swap3A_159], %swap3A_162 {strides = array<i32>} : memref<400x64xf32, #tpu.memory_space<vmem>>, vector<1x16xf32>,
        %get3A_163 = arith.index_cast %add3A_122 : i32 to index
        %get3A_164 = arith.constant 48 : index
        %get3A_165 = tpu.vector_load %arg9[%get3A_163, %get3A_164] {strides = array<i32>} : memref<400x64xf32, #tpu.memory_space<vmem>>, vector<1x16xf32>,
        %get3A_166 = vector.shape_cast %get3A_165 : vector<1x16xf32> to vector<16xf32>
        %get3A_167 = arith.index_cast %add3A_122 : i32 to index
        %get3A_168 = arith.constant 48 : index
        %get3A_169 = tpu.vector_load %arg7[%get3A_167, %get3A_168] {strides = array<i32>} : memref<400x64xf32, #tpu.memory_space<vmem>>, vector<1x16xf32>,
        %get3A_170 = vector.shape_cast %get3A_169 : vector<1x16xf32> to vector<16xf32>
        %add3A_171 = arith.addf %get3A_166, %get3A_170 : vector<16xf32>
        %swap3A_172 = arith.index_cast %add3A_122 : i32 to index
        %swap3A_173 = arith.constant 48 : index
        %swap3A_174 = tpu.vector_load %arg9[%swap3A_172, %swap3A_173] {strides = array<i32>} : memref<400x64xf32, #tpu.memory_space<vmem>>, vector<1x16xf32>,
        %swap3A_175 = vector.shape_cast %swap3A_174 : vector<1x16xf32> to vector<16xf32>
        %swap3A_176 = vector.shape_cast %add3A_171 : vector<16xf32> to vector<1x16xf32>
        tpu.vector_store %arg9[%swap3A_172, %swap3A_173], %swap3A_176 {strides = array<i32>} : memref<400x64xf32, #tpu.memory_space<vmem>>, vector<1x16xf32>,
        %scan3A_177 = arith.constant 1 : i32
        %scan3A_178 = arith.addi %scan3A_118, %scan3A_177 : i32
        %mul3A_179 = arith.constant 1 : i32
        %mul3A_180 = arith.muli %scan3A_178, %mul3A_179 : i32
        %add3A_181 = arith.constant 0 : i32
        %add3A_182 = arith.addi %add3A_181, %mul3A_180 : i32
        %get3A_183 = arith.index_cast %add3A_182 : i32 to index
        %get3A_184 = arith.constant 0 : index
        %get3A_185 = tpu.vector_load %arg9[%get3A_183, %get3A_184] {strides = array<i32>} : memref<400x64xf32, #tpu.memory_space<vmem>>, vector<1x16xf32>,
        %get3A_186 = vector.shape_cast %get3A_185 : vector<1x16xf32> to vector<16xf32>
        %get3A_187 = arith.index_cast %add3A_182 : i32 to index
        %get3A_188 = arith.constant 0 : index
        %get3A_189 = tpu.vector_load %arg7[%get3A_187, %get3A_188] {strides = array<i32>} : memref<400x64xf32, #tpu.memory_space<vmem>>, vector<1x16xf32>,
        %get3A_190 = vector.shape_cast %get3A_189 : vector<1x16xf32> to vector<16xf32>
        %add3A_191 = arith.addf %get3A_186, %get3A_190 : vector<16xf32>
        %swap3A_192 = arith.index_cast %add3A_182 : i32 to index
        %swap3A_193 = arith.constant 0 : index
        %swap3A_194 = tpu.vector_load %arg9[%swap3A_192, %swap3A_193] {strides = array<i32>} : memref<400x64xf32, #tpu.memory_space<vmem>>, vector<1x16xf32>,
        %swap3A_195 = vector.shape_cast %swap3A_194 : vector<1x16xf32> to vector<16xf32>
        %swap3A_196 = vector.shape_cast %add3A_191 : vector<16xf32> to vector<1x16xf32>
        tpu.vector_store %arg9[%swap3A_192, %swap3A_193], %swap3A_196 {strides = array<i32>} : memref<400x64xf32, #tpu.memory_space<vmem>>, vector<1x16xf32>,
        %get3A_197 = arith.index_cast %add3A_182 : i32 to index
        %get3A_198 = arith.constant 16 : index
        %get3A_199 = tpu.vector_load %arg9[%get3A_197, %get3A_198] {strides = array<i32>} : memref<400x64xf32, #tpu.memory_space<vmem>>, vector<1x16xf32>,
        %get3A_200 = vector.shape_cast %get3A_199 : vector<1x16xf32> to vector<16xf32>
        %get3A_201 = arith.index_cast %add3A_182 : i32 to index
        %get3A_202 = arith.constant 16 : index
        %get3A_203 = tpu.vector_load %arg7[%get3A_201, %get3A_202] {strides = array<i32>} : memref<400x64xf32, #tpu.memory_space<vmem>>, vector<1x16xf32>,
        %get3A_204 = vector.shape_cast %get3A_203 : vector<1x16xf32> to vector<16xf32>
        %add3A_205 = arith.addf %get3A_200, %get3A_204 : vector<16xf32>
        %swap3A_206 = arith.index_cast %add3A_182 : i32 to index
        %swap3A_207 = arith.constant 16 : index
        %swap3A_208 = tpu.vector_load %arg9[%swap3A_206, %swap3A_207] {strides = array<i32>} : memref<400x64xf32, #tpu.memory_space<vmem>>, vector<1x16xf32>,
        %swap3A_209 = vector.shape_cast %swap3A_208 : vector<1x16xf32> to vector<16xf32>
        %swap3A_210 = vector.shape_cast %add3A_205 : vector<16xf32> to vector<1x16xf32>
        tpu.vector_store %arg9[%swap3A_206, %swap3A_207], %swap3A_210 {strides = array<i32>} : memref<400x64xf32, #tpu.memory_space<vmem>>, vector<1x16xf32>,
        %get3A_211 = arith.index_cast %add3A_182 : i32 to index
        %get3A_212 = arith.constant 32 : index
        %get3A_213 = tpu.vector_load %arg9[%get3A_211, %get3A_212] {strides = array<i32>} : memref<400x64xf32, #tpu.memory_space<vmem>>, vector<1x16xf32>,
        %get3A_214 = vector.shape_cast %get3A_213 : vector<1x16xf32> to vector<16xf32>
        %get3A_215 = arith.index_cast %add3A_182 : i32 to index
        %get3A_216 = arith.constant 32 : index
        %get3A_217 = tpu.vector_load %arg7[%get3A_215, %get3A_216] {strides = array<i32>} : memref<400x64xf32, #tpu.memory_space<vmem>>, vector<1x16xf32>,
        %get3A_218 = vector.shape_cast %get3A_217 : vector<1x16xf32> to vector<16xf32>
        %add3A_219 = arith.addf %get3A_214, %get3A_218 : vector<16xf32>
        %swap3A_220 = arith.index_cast %add3A_182 : i32 to index
        %swap3A_221 = arith.constant 32 : index
        %swap3A_222 = tpu.vector_load %arg9[%swap3A_220, %swap3A_221] {strides = array<i32>} : memref<400x64xf32, #tpu.memory_space<vmem>>, vector<1x16xf32>,
        %swap3A_223 = vector.shape_cast %swap3A_222 : vector<1x16xf32> to vector<16xf32>
        %swap3A_224 = vector.shape_cast %add3A_219 : vector<16xf32> to vector<1x16xf32>
        tpu.vector_store %arg9[%swap3A_220, %swap3A_221], %swap3A_224 {strides = array<i32>} : memref<400x64xf32, #tpu.memory_space<vmem>>, vector<1x16xf32>,
        %get3A_225 = arith.index_cast %add3A_182 : i32 to index
        %get3A_226 = arith.constant 48 : index
        %get3A_227 = tpu.vector_load %arg9[%get3A_225, %get3A_226] {strides = array<i32>} : memref<400x64xf32, #tpu.memory_space<vmem>>, vector<1x16xf32>,
        %get3A_228 = vector.shape_cast %get3A_227 : vector<1x16xf32> to vector<16xf32>
        %get3A_229 = arith.index_cast %add3A_182 : i32 to index
        %get3A_230 = arith.constant 48 : index
        %get3A_231 = tpu.vector_load %arg7[%get3A_229, %get3A_230] {strides = array<i32>} : memref<400x64xf32, #tpu.memory_space<vmem>>, vector<1x16xf32>,
        %get3A_232 = vector.shape_cast %get3A_231 : vector<1x16xf32> to vector<16xf32>
        %add3A_233 = arith.addf %get3A_228, %get3A_232 : vector<16xf32>
        %swap3A_234 = arith.index_cast %add3A_182 : i32 to index
        %swap3A_235 = arith.constant 48 : index
        %swap3A_236 = tpu.vector_load %arg9[%swap3A_234, %swap3A_235] {strides = array<i32>} : memref<400x64xf32, #tpu.memory_space<vmem>>, vector<1x16xf32>,
        %swap3A_237 = vector.shape_cast %swap3A_236 : vector<1x16xf32> to vector<16xf32>
        %swap3A_238 = vector.shape_cast %add3A_233 : vector<16xf32> to vector<1x16xf32>
        tpu.vector_store %arg9[%swap3A_234, %swap3A_235], %swap3A_238 {strides = array<i32>} : memref<400x64xf32, #tpu.memory_space<vmem>>, vector<1x16xf32>,
        %scan3A_239 = arith.constant 2 : i32
        %scan3A_240 = arith.addi %scan3A_118, %scan3A_239 : i32
        %mul3A_241 = arith.constant 1 : i32
        %mul3A_242 = arith.muli %scan3A_240, %mul3A_241 : i32
        %add3A_243 = arith.constant 0 : i32
        %add3A_244 = arith.addi %add3A_243, %mul3A_242 : i32
        %get3A_245 = arith.index_cast %add3A_244 : i32 to index
        %get3A_246 = arith.constant 0 : index
        %get3A_247 = tpu.vector_load %arg9[%get3A_245, %get3A_246] {strides = array<i32>} : memref<400x64xf32, #tpu.memory_space<vmem>>, vector<1x16xf32>,
        %get3A_248 = vector.shape_cast %get3A_247 : vector<1x16xf32> to vector<16xf32>
        %get3A_249 = arith.index_cast %add3A_244 : i32 to index
        %get3A_250 = arith.constant 0 : index
        %get3A_251 = tpu.vector_load %arg7[%get3A_249, %get3A_250] {strides = array<i32>} : memref<400x64xf32, #tpu.memory_space<vmem>>, vector<1x16xf32>,
        %get3A_252 = vector.shape_cast %get3A_251 : vector<1x16xf32> to vector<16xf32>
        %add3A_253 = arith.addf %get3A_248, %get3A_252 : vector<16xf32>
        %swap3A_254 = arith.index_cast %add3A_244 : i32 to index
        %swap3A_255 = arith.constant 0 : index
        %swap3A_256 = tpu.vector_load %arg9[%swap3A_254, %swap3A_255] {strides = array<i32>} : memref<400x64xf32, #tpu.memory_space<vmem>>, vector<1x16xf32>,
        %swap3A_257 = vector.shape_cast %swap3A_256 : vector<1x16xf32> to vector<16xf32>
        %swap3A_258 = vector.shape_cast %add3A_253 : vector<16xf32> to vector<1x16xf32>
        tpu.vector_store %arg9[%swap3A_254, %swap3A_255], %swap3A_258 {strides = array<i32>} : memref<400x64xf32, #tpu.memory_space<vmem>>, vector<1x16xf32>,
        %get3A_259 = arith.index_cast %add3A_244 : i32 to index
        %get3A_260 = arith.constant 16 : index
        %get3A_261 = tpu.vector_load %arg9[%get3A_259, %get3A_260] {strides = array<i32>} : memref<400x64xf32, #tpu.memory_space<vmem>>, vector<1x16xf32>,
        %get3A_262 = vector.shape_cast %get3A_261 : vector<1x16xf32> to vector<16xf32>
        %get3A_263 = arith.index_cast %add3A_244 : i32 to index
        %get3A_264 = arith.constant 16 : index
        %get3A_265 = tpu.vector_load %arg7[%get3A_263, %get3A_264] {strides = array<i32>} : memref<400x64xf32, #tpu.memory_space<vmem>>, vector<1x16xf32>,
        %get3A_266 = vector.shape_cast %get3A_265 : vector<1x16xf32> to vector<16xf32>
        %add3A_267 = arith.addf %get3A_262, %get3A_266 : vector<16xf32>
        %swap3A_268 = arith.index_cast %add3A_244 : i32 to index
        %swap3A_269 = arith.constant 16 : index
        %swap3A_270 = tpu.vector_load %arg9[%swap3A_268, %swap3A_269] {strides = array<i32>} : memref<400x64xf32, #tpu.memory_space<vmem>>, vector<1x16xf32>,
        %swap3A_271 = vector.shape_cast %swap3A_270 : vector<1x16xf32> to vector<16xf32>
        %swap3A_272 = vector.shape_cast %add3A_267 : vector<16xf32> to vector<1x16xf32>
        tpu.vector_store %arg9[%swap3A_268, %swap3A_269], %swap3A_272 {strides = array<i32>} : memref<400x64xf32, #tpu.memory_space<vmem>>, vector<1x16xf32>,
        %get3A_273 = arith.index_cast %add3A_244 : i32 to index
        %get3A_274 = arith.constant 32 : index
        %get3A_275 = tpu.vector_load %arg9[%get3A_273, %get3A_274] {strides = array<i32>} : memref<400x64xf32, #tpu.memory_space<vmem>>, vector<1x16xf32>,
        %get3A_276 = vector.shape_cast %get3A_275 : vector<1x16xf32> to vector<16xf32>
        %get3A_277 = arith.index_cast %add3A_244 : i32 to index
        %get3A_278 = arith.constant 32 : index
        %get3A_279 = tpu.vector_load %arg7[%get3A_277, %get3A_278] {strides = array<i32>} : memref<400x64xf32, #tpu.memory_space<vmem>>, vector<1x16xf32>,
        %get3A_280 = vector.shape_cast %get3A_279 : vector<1x16xf32> to vector<16xf32>
        %add3A_281 = arith.addf %get3A_276, %get3A_280 : vector<16xf32>
        %swap3A_282 = arith.index_cast %add3A_244 : i32 to index
        %swap3A_283 = arith.constant 32 : index
        %swap3A_284 = tpu.vector_load %arg9[%swap3A_282, %swap3A_283] {strides = array<i32>} : memref<400x64xf32, #tpu.memory_space<vmem>>, vector<1x16xf32>,
        %swap3A_285 = vector.shape_cast %swap3A_284 : vector<1x16xf32> to vector<16xf32>
        %swap3A_286 = vector.shape_cast %add3A_281 : vector<16xf32> to vector<1x16xf32>
        tpu.vector_store %arg9[%swap3A_282, %swap3A_283], %swap3A_286 {strides = array<i32>} : memref<400x64xf32, #tpu.memory_space<vmem>>, vector<1x16xf32>,
        %get3A_287 = arith.index_cast %add3A_244 : i32 to index
        %get3A_288 = arith.constant 48 : index
        %get3A_289 = tpu.vector_load %arg9[%get3A_287, %get3A_288] {strides = array<i32>} : memref<400x64xf32, #tpu.memory_space<vmem>>, vector<1x16xf32>,
        %get3A_290 = vector.shape_cast %get3A_289 : vector<1x16xf32> to vector<16xf32>
        %get3A_291 = arith.index_cast %add3A_244 : i32 to index
        %get3A_292 = arith.constant 48 : index
        %get3A_293 = tpu.vector_load %arg7[%get3A_291, %get3A_292] {strides = array<i32>} : memref<400x64xf32, #tpu.memory_space<vmem>>, vector<1x16xf32>,
        %get3A_294 = vector.shape_cast %get3A_293 : vector<1x16xf32> to vector<16xf32>
        %add3A_295 = arith.addf %get3A_290, %get3A_294 : vector<16xf32>
        %swap3A_296 = arith.index_cast %add3A_244 : i32 to index
        %swap3A_297 = arith.constant 48 : index
        %swap3A_298 = tpu.vector_load %arg9[%swap3A_296, %swap3A_297] {strides = array<i32>} : memref<400x64xf32, #tpu.memory_space<vmem>>, vector<1x16xf32>,
        %swap3A_299 = vector.shape_cast %swap3A_298 : vector<1x16xf32> to vector<16xf32>
        %swap3A_300 = vector.shape_cast %add3A_295 : vector<16xf32> to vector<1x16xf32>
        tpu.vector_store %arg9[%swap3A_296, %swap3A_297], %swap3A_300 {strides = array<i32>} : memref<400x64xf32, #tpu.memory_space<vmem>>, vector<1x16xf32>,
        %scan3A_301 = arith.constant 3 : i32
        %scan3A_302 = arith.addi %scan3A_118, %scan3A_301 : i32
        %mul3A_303 = arith.constant 1 : i32
        %mul3A_304 = arith.muli %scan3A_302, %mul3A_303 : i32
        %add3A_305 = arith.constant 0 : i32
        %add3A_306 = arith.addi %add3A_305, %mul3A_304 : i32
        %get3A_307 = arith.index_cast %add3A_306 : i32 to index
        %get3A_308 = arith.constant 0 : index
        %get3A_309 = tpu.vector_load %arg9[%get3A_307, %get3A_308] {strides = array<i32>} : memref<400x64xf32, #tpu.memory_space<vmem>>, vector<1x16xf32>,
        %get3A_310 = vector.shape_cast %get3A_309 : vector<1x16xf32> to vector<16xf32>
        %get3A_311 = arith.index_cast %add3A_306 : i32 to index
        %get3A_312 = arith.constant 0 : index
        %get3A_313 = tpu.vector_load %arg7[%get3A_311, %get3A_312] {strides = array<i32>} : memref<400x64xf32, #tpu.memory_space<vmem>>, vector<1x16xf32>,
        %get3A_314 = vector.shape_cast %get3A_313 : vector<1x16xf32> to vector<16xf32>
        %add3A_315 = arith.addf %get3A_310, %get3A_314 : vector<16xf32>
        %swap3A_316 = arith.index_cast %add3A_306 : i32 to index
        %swap3A_317 = arith.constant 0 : index
        %swap3A_318 = tpu.vector_load %arg9[%swap3A_316, %swap3A_317] {strides = array<i32>} : memref<400x64xf32, #tpu.memory_space<vmem>>, vector<1x16xf32>,
        %swap3A_319 = vector.shape_cast %swap3A_318 : vector<1x16xf32> to vector<16xf32>
        %swap3A_320 = vector.shape_cast %add3A_315 : vector<16xf32> to vector<1x16xf32>
        tpu.vector_store %arg9[%swap3A_316, %swap3A_317], %swap3A_320 {strides = array<i32>} : memref<400x64xf32, #tpu.memory_space<vmem>>, vector<1x16xf32>,
        %get3A_321 = arith.index_cast %add3A_306 : i32 to index
        %get3A_322 = arith.constant 16 : index
        %get3A_323 = tpu.vector_load %arg9[%get3A_321, %get3A_322] {strides = array<i32>} : memref<400x64xf32, #tpu.memory_space<vmem>>, vector<1x16xf32>,
        %get3A_324 = vector.shape_cast %get3A_323 : vector<1x16xf32> to vector<16xf32>
        %get3A_325 = arith.index_cast %add3A_306 : i32 to index
        %get3A_326 = arith.constant 16 : index
        %get3A_327 = tpu.vector_load %arg7[%get3A_325, %get3A_326] {strides = array<i32>} : memref<400x64xf32, #tpu.memory_space<vmem>>, vector<1x16xf32>,
        %get3A_328 = vector.shape_cast %get3A_327 : vector<1x16xf32> to vector<16xf32>
        %add3A_329 = arith.addf %get3A_324, %get3A_328 : vector<16xf32>
        %swap3A_330 = arith.index_cast %add3A_306 : i32 to index
        %swap3A_331 = arith.constant 16 : index
        %swap3A_332 = tpu.vector_load %arg9[%swap3A_330, %swap3A_331] {strides = array<i32>} : memref<400x64xf32, #tpu.memory_space<vmem>>, vector<1x16xf32>,
        %swap3A_333 = vector.shape_cast %swap3A_332 : vector<1x16xf32> to vector<16xf32>
        %swap3A_334 = vector.shape_cast %add3A_329 : vector<16xf32> to vector<1x16xf32>
        tpu.vector_store %arg9[%swap3A_330, %swap3A_331], %swap3A_334 {strides = array<i32>} : memref<400x64xf32, #tpu.memory_space<vmem>>, vector<1x16xf32>,
        %get3A_335 = arith.index_cast %add3A_306 : i32 to index
        %get3A_336 = arith.constant 32 : index
        %get3A_337 = tpu.vector_load %arg9[%get3A_335, %get3A_336] {strides = array<i32>} : memref<400x64xf32, #tpu.memory_space<vmem>>, vector<1x16xf32>,
        %get3A_338 = vector.shape_cast %get3A_337 : vector<1x16xf32> to vector<16xf32>
        %get3A_339 = arith.index_cast %add3A_306 : i32 to index
        %get3A_340 = arith.constant 32 : index
        %get3A_341 = tpu.vector_load %arg7[%get3A_339, %get3A_340] {strides = array<i32>} : memref<400x64xf32, #tpu.memory_space<vmem>>, vector<1x16xf32>,
        %get3A_342 = vector.shape_cast %get3A_341 : vector<1x16xf32> to vector<16xf32>
        %add3A_343 = arith.addf %get3A_338, %get3A_342 : vector<16xf32>
        %swap3A_344 = arith.index_cast %add3A_306 : i32 to index
        %swap3A_345 = arith.constant 32 : index
        %swap3A_346 = tpu.vector_load %arg9[%swap3A_344, %swap3A_345] {strides = array<i32>} : memref<400x64xf32, #tpu.memory_space<vmem>>, vector<1x16xf32>,
        %swap3A_347 = vector.shape_cast %swap3A_346 : vector<1x16xf32> to vector<16xf32>
        %swap3A_348 = vector.shape_cast %add3A_343 : vector<16xf32> to vector<1x16xf32>
        tpu.vector_store %arg9[%swap3A_344, %swap3A_345], %swap3A_348 {strides = array<i32>} : memref<400x64xf32, #tpu.memory_space<vmem>>, vector<1x16xf32>,
        %get3A_349 = arith.index_cast %add3A_306 : i32 to index
        %get3A_350 = arith.constant 48 : index
        %get3A_351 = tpu.vector_load %arg9[%get3A_349, %get3A_350] {strides = array<i32>} : memref<400x64xf32, #tpu.memory_space<vmem>>, vector<1x16xf32>,
        %get3A_352 = vector.shape_cast %get3A_351 : vector<1x16xf32> to vector<16xf32>
        %get3A_353 = arith.index_cast %add3A_306 : i32 to index
        %get3A_354 = arith.constant 48 : index
        %get3A_355 = tpu.vector_load %arg7[%get3A_353, %get3A_354] {strides = array<i32>} : memref<400x64xf32, #tpu.memory_space<vmem>>, vector<1x16xf32>,
        %get3A_356 = vector.shape_cast %get3A_355 : vector<1x16xf32> to vector<16xf32>
        %add3A_357 = arith.addf %get3A_352, %get3A_356 : vector<16xf32>
        %swap3A_358 = arith.index_cast %add3A_306 : i32 to index
        %swap3A_359 = arith.constant 48 : index
        %swap3A_360 = tpu.vector_load %arg9[%swap3A_358, %swap3A_359] {strides = array<i32>} : memref<400x64xf32, #tpu.memory_space<vmem>>, vector<1x16xf32>,
        %swap3A_361 = vector.shape_cast %swap3A_360 : vector<1x16xf32> to vector<16xf32>
        %swap3A_362 = vector.shape_cast %add3A_357 : vector<16xf32> to vector<1x16xf32>
        tpu.vector_store %arg9[%swap3A_358, %swap3A_359], %swap3A_362 {strides = array<i32>} : memref<400x64xf32, #tpu.memory_space<vmem>>, vector<1x16xf32>,
        %scan3A_363 = arith.constant 4 : i32
        %scan3A_364 = arith.addi %scan3A_118, %scan3A_363 : i32
        %mul3A_365 = arith.constant 1 : i32
        %mul3A_366 = arith.muli %scan3A_364, %mul3A_365 : i32
        %add3A_367 = arith.constant 0 : i32
        %add3A_368 = arith.addi %add3A_367, %mul3A_366 : i32
        %get3A_369 = arith.index_cast %add3A_368 : i32 to index
        %get3A_370 = arith.constant 0 : index
        %get3A_371 = tpu.vector_load %arg9[%get3A_369, %get3A_370] {strides = array<i32>} : memref<400x64xf32, #tpu.memory_space<vmem>>, vector<1x16xf32>,
        %get3A_372 = vector.shape_cast %get3A_371 : vector<1x16xf32> to vector<16xf32>
        %get3A_373 = arith.index_cast %add3A_368 : i32 to index
        %get3A_374 = arith.constant 0 : index
        %get3A_375 = tpu.vector_load %arg7[%get3A_373, %get3A_374] {strides = array<i32>} : memref<400x64xf32, #tpu.memory_space<vmem>>, vector<1x16xf32>,
        %get3A_376 = vector.shape_cast %get3A_375 : vector<1x16xf32> to vector<16xf32>
        %add3A_377 = arith.addf %get3A_372, %get3A_376 : vector<16xf32>
        %swap3A_378 = arith.index_cast %add3A_368 : i32 to index
        %swap3A_379 = arith.constant 0 : index
        %swap3A_380 = tpu.vector_load %arg9[%swap3A_378, %swap3A_379] {strides = array<i32>} : memref<400x64xf32, #tpu.memory_space<vmem>>, vector<1x16xf32>,
        %swap3A_381 = vector.shape_cast %swap3A_380 : vector<1x16xf32> to vector<16xf32>
        %swap3A_382 = vector.shape_cast %add3A_377 : vector<16xf32> to vector<1x16xf32>
        tpu.vector_store %arg9[%swap3A_378, %swap3A_379], %swap3A_382 {strides = array<i32>} : memref<400x64xf32, #tpu.memory_space<vmem>>, vector<1x16xf32>,
        %get3A_383 = arith.index_cast %add3A_368 : i32 to index
        %get3A_384 = arith.constant 16 : index
        %get3A_385 = tpu.vector_load %arg9[%get3A_383, %get3A_384] {strides = array<i32>} : memref<400x64xf32, #tpu.memory_space<vmem>>, vector<1x16xf32>,
        %get3A_386 = vector.shape_cast %get3A_385 : vector<1x16xf32> to vector<16xf32>
        %get3A_387 = arith.index_cast %add3A_368 : i32 to index
        %get3A_388 = arith.constant 16 : index
        %get3A_389 = tpu.vector_load %arg7[%get3A_387, %get3A_388] {strides = array<i32>} : memref<400x64xf32, #tpu.memory_space<vmem>>, vector<1x16xf32>,
        %get3A_390 = vector.shape_cast %get3A_389 : vector<1x16xf32> to vector<16xf32>
        %add3A_391 = arith.addf %get3A_386, %get3A_390 : vector<16xf32>
        %swap3A_392 = arith.index_cast %add3A_368 : i32 to index
        %swap3A_393 = arith.constant 16 : index
        %swap3A_394 = tpu.vector_load %arg9[%swap3A_392, %swap3A_393] {strides = array<i32>} : memref<400x64xf32, #tpu.memory_space<vmem>>, vector<1x16xf32>,
        %swap3A_395 = vector.shape_cast %swap3A_394 : vector<1x16xf32> to vector<16xf32>
        %swap3A_396 = vector.shape_cast %add3A_391 : vector<16xf32> to vector<1x16xf32>
        tpu.vector_store %arg9[%swap3A_392, %swap3A_393], %swap3A_396 {strides = array<i32>} : memref<400x64xf32, #tpu.memory_space<vmem>>, vector<1x16xf32>,
        %get3A_397 = arith.index_cast %add3A_368 : i32 to index
        %get3A_398 = arith.constant 32 : index
        %get3A_399 = tpu.vector_load %arg9[%get3A_397, %get3A_398] {strides = array<i32>} : memref<400x64xf32, #tpu.memory_space<vmem>>, vector<1x16xf32>,
        %get3A_400 = vector.shape_cast %get3A_399 : vector<1x16xf32> to vector<16xf32>
        %get3A_401 = arith.index_cast %add3A_368 : i32 to index
        %get3A_402 = arith.constant 32 : index
        %get3A_403 = tpu.vector_load %arg7[%get3A_401, %get3A_402] {strides = array<i32>} : memref<400x64xf32, #tpu.memory_space<vmem>>, vector<1x16xf32>,
        %get3A_404 = vector.shape_cast %get3A_403 : vector<1x16xf32> to vector<16xf32>
        %add3A_405 = arith.addf %get3A_400, %get3A_404 : vector<16xf32>
        %swap3A_406 = arith.index_cast %add3A_368 : i32 to index
        %swap3A_407 = arith.constant 32 : index
        %swap3A_408 = tpu.vector_load %arg9[%swap3A_406, %swap3A_407] {strides = array<i32>} : memref<400x64xf32, #tpu.memory_space<vmem>>, vector<1x16xf32>,
        %swap3A_409 = vector.shape_cast %swap3A_408 : vector<1x16xf32> to vector<16xf32>
        %swap3A_410 = vector.shape_cast %add3A_405 : vector<16xf32> to vector<1x16xf32>
        tpu.vector_store %arg9[%swap3A_406, %swap3A_407], %swap3A_410 {strides = array<i32>} : memref<400x64xf32, #tpu.memory_space<vmem>>, vector<1x16xf32>,
        %get3A_411 = arith.index_cast %add3A_368 : i32 to index
        %get3A_412 = arith.constant 48 : index
        %get3A_413 = tpu.vector_load %arg9[%get3A_411, %get3A_412] {strides = array<i32>} : memref<400x64xf32, #tpu.memory_space<vmem>>, vector<1x16xf32>,
        %get3A_414 = vector.shape_cast %get3A_413 : vector<1x16xf32> to vector<16xf32>
        %get3A_415 = arith.index_cast %add3A_368 : i32 to index
        %get3A_416 = arith.constant 48 : index
        %get3A_417 = tpu.vector_load %arg7[%get3A_415, %get3A_416] {strides = array<i32>} : memref<400x64xf32, #tpu.memory_space<vmem>>, vector<1x16xf32>,
        %get3A_418 = vector.shape_cast %get3A_417 : vector<1x16xf32> to vector<16xf32>
        %add3A_419 = arith.addf %get3A_414, %get3A_418 : vector<16xf32>
        %swap3A_420 = arith.index_cast %add3A_368 : i32 to index
        %swap3A_421 = arith.constant 48 : index
        %swap3A_422 = tpu.vector_load %arg9[%swap3A_420, %swap3A_421] {strides = array<i32>} : memref<400x64xf32, #tpu.memory_space<vmem>>, vector<1x16xf32>,
        %swap3A_423 = vector.shape_cast %swap3A_422 : vector<1x16xf32> to vector<16xf32>
        %swap3A_424 = vector.shape_cast %add3A_419 : vector<16xf32> to vector<1x16xf32>
        tpu.vector_store %arg9[%swap3A_420, %swap3A_421], %swap3A_424 {strides = array<i32>} : memref<400x64xf32, #tpu.memory_space<vmem>>, vector<1x16xf32>,
        %scan3A_425 = arith.constant 5 : i32
        %scan3A_426 = arith.addi %scan3A_118, %scan3A_425 : i32
        %mul3A_427 = arith.constant 1 : i32
        %mul3A_428 = arith.muli %scan3A_426, %mul3A_427 : i32
        %add3A_429 = arith.constant 0 : i32
        %add3A_430 = arith.addi %add3A_429, %mul3A_428 : i32
        %get3A_431 = arith.index_cast %add3A_430 : i32 to index
        %get3A_432 = arith.constant 0 : index
        %get3A_433 = tpu.vector_load %arg9[%get3A_431, %get3A_432] {strides = array<i32>} : memref<400x64xf32, #tpu.memory_space<vmem>>, vector<1x16xf32>,
        %get3A_434 = vector.shape_cast %get3A_433 : vector<1x16xf32> to vector<16xf32>
        %get3A_435 = arith.index_cast %add3A_430 : i32 to index
        %get3A_436 = arith.constant 0 : index
        %get3A_437 = tpu.vector_load %arg7[%get3A_435, %get3A_436] {strides = array<i32>} : memref<400x64xf32, #tpu.memory_space<vmem>>, vector<1x16xf32>,
        %get3A_438 = vector.shape_cast %get3A_437 : vector<1x16xf32> to vector<16xf32>
        %add3A_439 = arith.addf %get3A_434, %get3A_438 : vector<16xf32>
        %swap3A_440 = arith.index_cast %add3A_430 : i32 to index
        %swap3A_441 = arith.constant 0 : index
        %swap3A_442 = tpu.vector_load %arg9[%swap3A_440, %swap3A_441] {strides = array<i32>} : memref<400x64xf32, #tpu.memory_space<vmem>>, vector<1x16xf32>,
        %swap3A_443 = vector.shape_cast %swap3A_442 : vector<1x16xf32> to vector<16xf32>
        %swap3A_444 = vector.shape_cast %add3A_439 : vector<16xf32> to vector<1x16xf32>
        tpu.vector_store %arg9[%swap3A_440, %swap3A_441], %swap3A_444 {strides = array<i32>} : memref<400x64xf32, #tpu.memory_space<vmem>>, vector<1x16xf32>,
        %get3A_445 = arith.index_cast %add3A_430 : i32 to index
        %get3A_446 = arith.constant 16 : index
        %get3A_447 = tpu.vector_load %arg9[%get3A_445, %get3A_446] {strides = array<i32>} : memref<400x64xf32, #tpu.memory_space<vmem>>, vector<1x16xf32>,
        %get3A_448 = vector.shape_cast %get3A_447 : vector<1x16xf32> to vector<16xf32>
        %get3A_449 = arith.index_cast %add3A_430 : i32 to index
        %get3A_450 = arith.constant 16 : index
        %get3A_451 = tpu.vector_load %arg7[%get3A_449, %get3A_450] {strides = array<i32>} : memref<400x64xf32, #tpu.memory_space<vmem>>, vector<1x16xf32>,
        %get3A_452 = vector.shape_cast %get3A_451 : vector<1x16xf32> to vector<16xf32>
        %add3A_453 = arith.addf %get3A_448, %get3A_452 : vector<16xf32>
        %swap3A_454 = arith.index_cast %add3A_430 : i32 to index
        %swap3A_455 = arith.constant 16 : index
        %swap3A_456 = tpu.vector_load %arg9[%swap3A_454, %swap3A_455] {strides = array<i32>} : memref<400x64xf32, #tpu.memory_space<vmem>>, vector<1x16xf32>,
        %swap3A_457 = vector.shape_cast %swap3A_456 : vector<1x16xf32> to vector<16xf32>
        %swap3A_458 = vector.shape_cast %add3A_453 : vector<16xf32> to vector<1x16xf32>
        tpu.vector_store %arg9[%swap3A_454, %swap3A_455], %swap3A_458 {strides = array<i32>} : memref<400x64xf32, #tpu.memory_space<vmem>>, vector<1x16xf32>,
        %get3A_459 = arith.index_cast %add3A_430 : i32 to index
        %get3A_460 = arith.constant 32 : index
        %get3A_461 = tpu.vector_load %arg9[%get3A_459, %get3A_460] {strides = array<i32>} : memref<400x64xf32, #tpu.memory_space<vmem>>, vector<1x16xf32>,
        %get3A_462 = vector.shape_cast %get3A_461 : vector<1x16xf32> to vector<16xf32>
        %get3A_463 = arith.index_cast %add3A_430 : i32 to index
        %get3A_464 = arith.constant 32 : index
        %get3A_465 = tpu.vector_load %arg7[%get3A_463, %get3A_464] {strides = array<i32>} : memref<400x64xf32, #tpu.memory_space<vmem>>, vector<1x16xf32>,
        %get3A_466 = vector.shape_cast %get3A_465 : vector<1x16xf32> to vector<16xf32>
        %add3A_467 = arith.addf %get3A_462, %get3A_466 : vector<16xf32>
        %swap3A_468 = arith.index_cast %add3A_430 : i32 to index
        %swap3A_469 = arith.constant 32 : index
        %swap3A_470 = tpu.vector_load %arg9[%swap3A_468, %swap3A_469] {strides = array<i32>} : memref<400x64xf32, #tpu.memory_space<vmem>>, vector<1x16xf32>,
        %swap3A_471 = vector.shape_cast %swap3A_470 : vector<1x16xf32> to vector<16xf32>
        %swap3A_472 = vector.shape_cast %add3A_467 : vector<16xf32> to vector<1x16xf32>
        tpu.vector_store %arg9[%swap3A_468, %swap3A_469], %swap3A_472 {strides = array<i32>} : memref<400x64xf32, #tpu.memory_space<vmem>>, vector<1x16xf32>,
        %get3A_473 = arith.index_cast %add3A_430 : i32 to index
        %get3A_474 = arith.constant 48 : index
        %get3A_475 = tpu.vector_load %arg9[%get3A_473, %get3A_474] {strides = array<i32>} : memref<400x64xf32, #tpu.memory_space<vmem>>, vector<1x16xf32>,
        %get3A_476 = vector.shape_cast %get3A_475 : vector<1x16xf32> to vector<16xf32>
        %get3A_477 = arith.index_cast %add3A_430 : i32 to index
        %get3A_478 = arith.constant 48 : index
        %get3A_479 = tpu.vector_load %arg7[%get3A_477, %get3A_478] {strides = array<i32>} : memref<400x64xf32, #tpu.memory_space<vmem>>, vector<1x16xf32>,
        %get3A_480 = vector.shape_cast %get3A_479 : vector<1x16xf32> to vector<16xf32>
        %add3A_481 = arith.addf %get3A_476, %get3A_480 : vector<16xf32>
        %swap3A_482 = arith.index_cast %add3A_430 : i32 to index
        %swap3A_483 = arith.constant 48 : index
        %swap3A_484 = tpu.vector_load %arg9[%swap3A_482, %swap3A_483] {strides = array<i32>} : memref<400x64xf32, #tpu.memory_space<vmem>>, vector<1x16xf32>,
        %swap3A_485 = vector.shape_cast %swap3A_484 : vector<1x16xf32> to vector<16xf32>
        %swap3A_486 = vector.shape_cast %add3A_481 : vector<16xf32> to vector<1x16xf32>
        tpu.vector_store %arg9[%swap3A_482, %swap3A_483], %swap3A_486 {strides = array<i32>} : memref<400x64xf32, #tpu.memory_space<vmem>>, vector<1x16xf32>,
        %scan3A_487 = arith.constant 6 : i32
        %scan3A_488 = arith.addi %scan3A_118, %scan3A_487 : i32
        %mul3A_489 = arith.constant 1 : i32
        %mul3A_490 = arith.muli %scan3A_488, %mul3A_489 : i32
        %add3A_491 = arith.constant 0 : i32
        %add3A_492 = arith.addi %add3A_491, %mul3A_490 : i32
        %get3A_493 = arith.index_cast %add3A_492 : i32 to index
        %get3A_494 = arith.constant 0 : index
        %get3A_495 = tpu.vector_load %arg9[%get3A_493, %get3A_494] {strides = array<i32>} : memref<400x64xf32, #tpu.memory_space<vmem>>, vector<1x16xf32>,
        %get3A_496 = vector.shape_cast %get3A_495 : vector<1x16xf32> to vector<16xf32>
        %get3A_497 = arith.index_cast %add3A_492 : i32 to index
        %get3A_498 = arith.constant 0 : index
        %get3A_499 = tpu.vector_load %arg7[%get3A_497, %get3A_498] {strides = array<i32>} : memref<400x64xf32, #tpu.memory_space<vmem>>, vector<1x16xf32>,
        %get3A_500 = vector.shape_cast %get3A_499 : vector<1x16xf32> to vector<16xf32>
        %add3A_501 = arith.addf %get3A_496, %get3A_500 : vector<16xf32>
        %swap3A_502 = arith.index_cast %add3A_492 : i32 to index
        %swap3A_503 = arith.constant 0 : index
        %swap3A_504 = tpu.vector_load %arg9[%swap3A_502, %swap3A_503] {strides = array<i32>} : memref<400x64xf32, #tpu.memory_space<vmem>>, vector<1x16xf32>,
        %swap3A_505 = vector.shape_cast %swap3A_504 : vector<1x16xf32> to vector<16xf32>
        %swap3A_506 = vector.shape_cast %add3A_501 : vector<16xf32> to vector<1x16xf32>
        tpu.vector_store %arg9[%swap3A_502, %swap3A_503], %swap3A_506 {strides = array<i32>} : memref<400x64xf32, #tpu.memory_space<vmem>>, vector<1x16xf32>,
        %get3A_507 = arith.index_cast %add3A_492 : i32 to index
        %get3A_508 = arith.constant 16 : index
        %get3A_509 = tpu.vector_load %arg9[%get3A_507, %get3A_508] {strides = array<i32>} : memref<400x64xf32, #tpu.memory_space<vmem>>, vector<1x16xf32>,
        %get3A_510 = vector.shape_cast %get3A_509 : vector<1x16xf32> to vector<16xf32>
        %get3A_511 = arith.index_cast %add3A_492 : i32 to index
        %get3A_512 = arith.constant 16 : index
        %get3A_513 = tpu.vector_load %arg7[%get3A_511, %get3A_512] {strides = array<i32>} : memref<400x64xf32, #tpu.memory_space<vmem>>, vector<1x16xf32>,
        %get3A_514 = vector.shape_cast %get3A_513 : vector<1x16xf32> to vector<16xf32>
        %add3A_515 = arith.addf %get3A_510, %get3A_514 : vector<16xf32>
        %swap3A_516 = arith.index_cast %add3A_492 : i32 to index
        %swap3A_517 = arith.constant 16 : index
        %swap3A_518 = tpu.vector_load %arg9[%swap3A_516, %swap3A_517] {strides = array<i32>} : memref<400x64xf32, #tpu.memory_space<vmem>>, vector<1x16xf32>,
        %swap3A_519 = vector.shape_cast %swap3A_518 : vector<1x16xf32> to vector<16xf32>
        %swap3A_520 = vector.shape_cast %add3A_515 : vector<16xf32> to vector<1x16xf32>
        tpu.vector_store %arg9[%swap3A_516, %swap3A_517], %swap3A_520 {strides = array<i32>} : memref<400x64xf32, #tpu.memory_space<vmem>>, vector<1x16xf32>,
        %get3A_521 = arith.index_cast %add3A_492 : i32 to index
        %get3A_522 = arith.constant 32 : index
        %get3A_523 = tpu.vector_load %arg9[%get3A_521, %get3A_522] {strides = array<i32>} : memref<400x64xf32, #tpu.memory_space<vmem>>, vector<1x16xf32>,
        %get3A_524 = vector.shape_cast %get3A_523 : vector<1x16xf32> to vector<16xf32>
        %get3A_525 = arith.index_cast %add3A_492 : i32 to index
        %get3A_526 = arith.constant 32 : index
        %get3A_527 = tpu.vector_load %arg7[%get3A_525, %get3A_526] {strides = array<i32>} : memref<400x64xf32, #tpu.memory_space<vmem>>, vector<1x16xf32>,
        %get3A_528 = vector.shape_cast %get3A_527 : vector<1x16xf32> to vector<16xf32>
        %add3A_529 = arith.addf %get3A_524, %get3A_528 : vector<16xf32>
        %swap3A_530 = arith.index_cast %add3A_492 : i32 to index
        %swap3A_531 = arith.constant 32 : index
        %swap3A_532 = tpu.vector_load %arg9[%swap3A_530, %swap3A_531] {strides = array<i32>} : memref<400x64xf32, #tpu.memory_space<vmem>>, vector<1x16xf32>,
        %swap3A_533 = vector.shape_cast %swap3A_532 : vector<1x16xf32> to vector<16xf32>
        %swap3A_534 = vector.shape_cast %add3A_529 : vector<16xf32> to vector<1x16xf32>
        tpu.vector_store %arg9[%swap3A_530, %swap3A_531], %swap3A_534 {strides = array<i32>} : memref<400x64xf32, #tpu.memory_space<vmem>>, vector<1x16xf32>,
        %get3A_535 = arith.index_cast %add3A_492 : i32 to index
        %get3A_536 = arith.constant 48 : index
        %get3A_537 = tpu.vector_load %arg9[%get3A_535, %get3A_536] {strides = array<i32>} : memref<400x64xf32, #tpu.memory_space<vmem>>, vector<1x16xf32>,
        %get3A_538 = vector.shape_cast %get3A_537 : vector<1x16xf32> to vector<16xf32>
        %get3A_539 = arith.index_cast %add3A_492 : i32 to index
        %get3A_540 = arith.constant 48 : index
        %get3A_541 = tpu.vector_load %arg7[%get3A_539, %get3A_540] {strides = array<i32>} : memref<400x64xf32, #tpu.memory_space<vmem>>, vector<1x16xf32>,
        %get3A_542 = vector.shape_cast %get3A_541 : vector<1x16xf32> to vector<16xf32>
        %add3A_543 = arith.addf %get3A_538, %get3A_542 : vector<16xf32>
        %swap3A_544 = arith.index_cast %add3A_492 : i32 to index
        %swap3A_545 = arith.constant 48 : index
        %swap3A_546 = tpu.vector_load %arg9[%swap3A_544, %swap3A_545] {strides = array<i32>} : memref<400x64xf32, #tpu.memory_space<vmem>>, vector<1x16xf32>,
        %swap3A_547 = vector.shape_cast %swap3A_546 : vector<1x16xf32> to vector<16xf32>
        %swap3A_548 = vector.shape_cast %add3A_543 : vector<16xf32> to vector<1x16xf32>
        tpu.vector_store %arg9[%swap3A_544, %swap3A_545], %swap3A_548 {strides = array<i32>} : memref<400x64xf32, #tpu.memory_space<vmem>>, vector<1x16xf32>,
        %scan3A_549 = arith.constant 7 : i32
        %scan3A_550 = arith.addi %scan3A_118, %scan3A_549 : i32
        %mul3A_551 = arith.constant 1 : i32
        %mul3A_552 = arith.muli %scan3A_550, %mul3A_551 : i32
        %add3A_553 = arith.constant 0 : i32
        %add3A_554 = arith.addi %add3A_553, %mul3A_552 : i32
        %get3A_555 = arith.index_cast %add3A_554 : i32 to index
        %get3A_556 = arith.constant 0 : index
        %get3A_557 = tpu.vector_load %arg9[%get3A_555, %get3A_556] {strides = array<i32>} : memref<400x64xf32, #tpu.memory_space<vmem>>, vector<1x16xf32>,
        %get3A_558 = vector.shape_cast %get3A_557 : vector<1x16xf32> to vector<16xf32>
        %get3A_559 = arith.index_cast %add3A_554 : i32 to index
        %get3A_560 = arith.constant 0 : index
        %get3A_561 = tpu.vector_load %arg7[%get3A_559, %get3A_560] {strides = array<i32>} : memref<400x64xf32, #tpu.memory_space<vmem>>, vector<1x16xf32>,
        %get3A_562 = vector.shape_cast %get3A_561 : vector<1x16xf32> to vector<16xf32>
        %add3A_563 = arith.addf %get3A_558, %get3A_562 : vector<16xf32>
        %swap3A_564 = arith.index_cast %add3A_554 : i32 to index
        %swap3A_565 = arith.constant 0 : index
        %swap3A_566 = tpu.vector_load %arg9[%swap3A_564, %swap3A_565] {strides = array<i32>} : memref<400x64xf32, #tpu.memory_space<vmem>>, vector<1x16xf32>,
        %swap3A_567 = vector.shape_cast %swap3A_566 : vector<1x16xf32> to vector<16xf32>
        %swap3A_568 = vector.shape_cast %add3A_563 : vector<16xf32> to vector<1x16xf32>
        tpu.vector_store %arg9[%swap3A_564, %swap3A_565], %swap3A_568 {strides = array<i32>} : memref<400x64xf32, #tpu.memory_space<vmem>>, vector<1x16xf32>,
        %get3A_569 = arith.index_cast %add3A_554 : i32 to index
        %get3A_570 = arith.constant 16 : index
        %get3A_571 = tpu.vector_load %arg9[%get3A_569, %get3A_570] {strides = array<i32>} : memref<400x64xf32, #tpu.memory_space<vmem>>, vector<1x16xf32>,
        %get3A_572 = vector.shape_cast %get3A_571 : vector<1x16xf32> to vector<16xf32>
        %get3A_573 = arith.index_cast %add3A_554 : i32 to index
        %get3A_574 = arith.constant 16 : index
        %get3A_575 = tpu.vector_load %arg7[%get3A_573, %get3A_574] {strides = array<i32>} : memref<400x64xf32, #tpu.memory_space<vmem>>, vector<1x16xf32>,
        %get3A_576 = vector.shape_cast %get3A_575 : vector<1x16xf32> to vector<16xf32>
        %add3A_577 = arith.addf %get3A_572, %get3A_576 : vector<16xf32>
        %swap3A_578 = arith.index_cast %add3A_554 : i32 to index
        %swap3A_579 = arith.constant 16 : index
        %swap3A_580 = tpu.vector_load %arg9[%swap3A_578, %swap3A_579] {strides = array<i32>} : memref<400x64xf32, #tpu.memory_space<vmem>>, vector<1x16xf32>,
        %swap3A_581 = vector.shape_cast %swap3A_580 : vector<1x16xf32> to vector<16xf32>
        %swap3A_582 = vector.shape_cast %add3A_577 : vector<16xf32> to vector<1x16xf32>
        tpu.vector_store %arg9[%swap3A_578, %swap3A_579], %swap3A_582 {strides = array<i32>} : memref<400x64xf32, #tpu.memory_space<vmem>>, vector<1x16xf32>,
        %get3A_583 = arith.index_cast %add3A_554 : i32 to index
        %get3A_584 = arith.constant 32 : index
        %get3A_585 = tpu.vector_load %arg9[%get3A_583, %get3A_584] {strides = array<i32>} : memref<400x64xf32, #tpu.memory_space<vmem>>, vector<1x16xf32>,
        %get3A_586 = vector.shape_cast %get3A_585 : vector<1x16xf32> to vector<16xf32>
        %get3A_587 = arith.index_cast %add3A_554 : i32 to index
        %get3A_588 = arith.constant 32 : index
        %get3A_589 = tpu.vector_load %arg7[%get3A_587, %get3A_588] {strides = array<i32>} : memref<400x64xf32, #tpu.memory_space<vmem>>, vector<1x16xf32>,
        %get3A_590 = vector.shape_cast %get3A_589 : vector<1x16xf32> to vector<16xf32>
        %add3A_591 = arith.addf %get3A_586, %get3A_590 : vector<16xf32>
        %swap3A_592 = arith.index_cast %add3A_554 : i32 to index
        %swap3A_593 = arith.constant 32 : index
        %swap3A_594 = tpu.vector_load %arg9[%swap3A_592, %swap3A_593] {strides = array<i32>} : memref<400x64xf32, #tpu.memory_space<vmem>>, vector<1x16xf32>,
        %swap3A_595 = vector.shape_cast %swap3A_594 : vector<1x16xf32> to vector<16xf32>
        %swap3A_596 = vector.shape_cast %add3A_591 : vector<16xf32> to vector<1x16xf32>
        tpu.vector_store %arg9[%swap3A_592, %swap3A_593], %swap3A_596 {strides = array<i32>} : memref<400x64xf32, #tpu.memory_space<vmem>>, vector<1x16xf32>,
        %get3A_597 = arith.index_cast %add3A_554 : i32 to index
        %get3A_598 = arith.constant 48 : index
        %get3A_599 = tpu.vector_load %arg9[%get3A_597, %get3A_598] {strides = array<i32>} : memref<400x64xf32, #tpu.memory_space<vmem>>, vector<1x16xf32>,
        %get3A_600 = vector.shape_cast %get3A_599 : vector<1x16xf32> to vector<16xf32>
        %get3A_601 = arith.index_cast %add3A_554 : i32 to index
        %get3A_602 = arith.constant 48 : index
        %get3A_603 = tpu.vector_load %arg7[%get3A_601, %get3A_602] {strides = array<i32>} : memref<400x64xf32, #tpu.memory_space<vmem>>, vector<1x16xf32>,
        %get3A_604 = vector.shape_cast %get3A_603 : vector<1x16xf32> to vector<16xf32>
        %add3A_605 = arith.addf %get3A_600, %get3A_604 : vector<16xf32>
        %swap3A_606 = arith.index_cast %add3A_554 : i32 to index
        %swap3A_607 = arith.constant 48 : index
        %swap3A_608 = tpu.vector_load %arg9[%swap3A_606, %swap3A_607] {strides = array<i32>} : memref<400x64xf32, #tpu.memory_space<vmem>>, vector<1x16xf32>,
        %swap3A_609 = vector.shape_cast %swap3A_608 : vector<1x16xf32> to vector<16xf32>
        %swap3A_610 = vector.shape_cast %add3A_605 : vector<16xf32> to vector<1x16xf32>
        tpu.vector_store %arg9[%swap3A_606, %swap3A_607], %swap3A_610 {strides = array<i32>} : memref<400x64xf32, #tpu.memory_space<vmem>>, vector<1x16xf32>,
      }
      %scan3A_110 = arith.constant 400 : i32
      %mul3A_111 = arith.constant 400 : i32
      %mul3A_112 = arith.muli %add3A_87, %mul3A_111 : i32
      %add3A_113 = arith.addi %mul3A_4, %mul3A_112 : i32
      %dma_start3A_114 = arith.constant 0 : i32
      %dma_start3A_115 = tpu.memref_slice %arg5[%add3A_113, %dma_start3A_114] : memref<204800x128xf32, #tpu.memory_space<hbm>> -> memref<400x64xf32, #tpu.memory_space<hbm>>
      %dma_start3A_116 = arith.constant 0 : i32
      %dma_start3A_117 = tpu.memref_slice %arg5[%add3A_113, %dma_start3A_116] : memref<204800x128xf32, #tpu.memory_space<hbm>> -> memref<400x64xf32, #tpu.memory_space<hbm>>
      tpu.enqueue_dma source(%arg9 : memref<400x64xf32, #tpu.memory_space<vmem>>) target(%dma_start3A_117 : memref<400x64xf32, #tpu.memory_space<hbm>>) target_semaphore(%arg13 : memref<!tpu.dma_semaphore, #tpu.memory_space<semaphore_mem>>)
    }
    %scan3A_47 = arith.constant 8 : i32
    %dma_wait3A = arith.constant 0 : i32
    %dma_wait3A_48 = arith.constant 0 : i32
    %dma_wait3A_49 = tpu.memref_slice %arg5[%dma_wait3A, %dma_wait3A_48] : memref<204800x128xf32, #tpu.memory_space<hbm>> -> memref<400x64xf32, #tpu.memory_space<hbm>>
    %dma_wait3A_50 = arith.constant 0 : i32
    %dma_wait3A_51 = arith.constant 0 : i32
    %dma_wait3A_52 = tpu.memref_slice %arg5[%dma_wait3A_50, %dma_wait3A_51] : memref<204800x128xf32, #tpu.memory_space<hbm>> -> memref<400x64xf32, #tpu.memory_space<hbm>>
    tpu.wait_dma2 semaphore(%arg13 : memref<!tpu.dma_semaphore, #tpu.memory_space<semaphore_mem>>) src(%arg9 : memref<400x64xf32, #tpu.memory_space<vmem>>) dst(%dma_wait3A_52 : memref<400x64xf32, #tpu.memory_space<hbm>>)
    return
  }
}

module attributes {stable_mosaic.version = 14 : i64} {
  func.func @_tp_body(%arg0: i32, %arg1: memref<64x8192xf32, #tpu.memory_space<vmem>>, %arg2: memref<64x8192xf32, #tpu.memory_space<vmem>>, %arg3: memref<8192x128xf32, #tpu.memory_space<vmem>>) attributes {dimension_semantics = [#tpu.dimension_semantics<arbitrary>], iteration_bounds = array<i64: 62>, scalar_prefetch = 0 : i64, scratch_operands = 0 : i64, tpu.core_type = #tpu.core_type<tc>, window_params = [{transform_indices = @transform_0, window_bounds = array<i64: 64, 8192>}, {transform_indices = @transform_1, window_bounds = array<i64: 64, 8192>}, {transform_indices = @transform_2, window_bounds = array<i64: 8192, 128>}]} {
    %get3A = arith.constant 0 : index
    %get3A_0 = arith.constant 0 : index
    %get3A_1 = vector.load %arg1[%get3A, %get3A_0] : memref<64x8192xf32, #tpu.memory_space<vmem>>, vector<64x8192xf32>
    %transpose3A = tpu.transpose %get3A_1, [1, 0] : vector<64x8192xf32> -> vector<8192x64xf32>
    %swap3A = arith.constant 0 : index
    %swap3A_2 = arith.constant 0 : index
    %swap3A_3 = vector.load %arg3[%swap3A, %swap3A_2] : memref<8192x128xf32, #tpu.memory_space<vmem>>, vector<8192x64xf32>
    tpu.vector_store %arg3[%swap3A, %swap3A_2], %transpose3A {strides = array<i32>} : memref<8192x128xf32, #tpu.memory_space<vmem>>, vector<8192x64xf32>,
    %get3A_4 = arith.constant 0 : index
    %get3A_5 = arith.constant 0 : index
    %get3A_6 = vector.load %arg2[%get3A_4, %get3A_5] : memref<64x8192xf32, #tpu.memory_space<vmem>>, vector<64x8192xf32>
    %transpose3A_7 = tpu.transpose %get3A_6, [1, 0] : vector<64x8192xf32> -> vector<8192x64xf32>
    %swap3A_8 = arith.constant 0 : index
    %swap3A_9 = arith.constant 64 : index
    %swap3A_10 = vector.load %arg3[%swap3A_8, %swap3A_9] : memref<8192x128xf32, #tpu.memory_space<vmem>>, vector<8192x64xf32>
    tpu.vector_store %arg3[%swap3A_8, %swap3A_9], %transpose3A_7 {strides = array<i32>} : memref<8192x128xf32, #tpu.memory_space<vmem>>, vector<8192x64xf32>,
    return
  }
  func.func @transform_0(%arg0: i32) -> (i32, i32) {
    %c0_i32 = arith.constant 0 : i32
    %c0_i32_0 = arith.constant 0 : i32
    return %c0_i32, %arg0 : i32, i32
  }
  func.func @transform_1(%arg0: i32) -> (i32, i32) {
    %add3A = arith.constant 62 : i32
    %add3A_0 = arith.addi %arg0, %add3A : i32
    %sub3A = arith.constant 1 : i32
    %sub3A_1 = arith.subi %add3A_0, %sub3A : i32
    %c0_i32 = arith.constant 0 : i32
    %c0_i32_2 = arith.constant 0 : i32
    return %c0_i32, %sub3A_1 : i32, i32
  }
  func.func @transform_2(%arg0: i32) -> (i32, i32) {
    %c0_i32 = arith.constant 0 : i32
    %c0_i32_0 = arith.constant 0 : i32
    return %arg0, %c0_i32 : i32, i32
  }
}

</mosaic_0001>

<sc_bundles>
// kernel: kernel.4.cloned.1.call-start
scs
__scs_entry_jumppad:
0x0: {  	(pc) =	sbr.rel $0x88, $3  }
0x1: {  	(tag) =	ssettag $0x0;
	lr =	simm.s32 $0x1  }
0x2: {  	[smem:$0x3F9E] =	sst lr;
	_ =	strace $0xD0000000  }
0x3: {  	_ = 	snop  }
0x4: {  	_ = 	snop  }
0x5: {  	_ = 	snop  }
0x6: {  	_ = 	snop  }
0x7: {  	_ = 	snop  }
__scs_overlays_trampoline_lowered:
0x8: {  	[smem:$0x3FAD] =	sst s0  }
0x9: {  	[smem:$0x3FAE] =	sst s1  }
0xa: {  	[smem:$0x3FAF] =	sst s2  }
0xb: {  	[smem:$0x3FB0] =	sst s3  }
0xc: {  	[smem:$0x3FB1] =	sst s4  }
0xd: {  	[smem:$0x3FB2] =	sst s5  }
0xe: {  	[smem:$0x3FB3] =	sst s6  }
0xf: {  	[smem:$0x3FB4] =	sst s7  }
0x10: {  	[smem:$0x3FB5] =	sst s8  }
0x11: {  	[smem:$0x3FB6] =	sst s9;
	s0 =	simm.s32 @!p0 $0x0  }
0x12: {  	s1 =	sld [smem:$0x3F9C];
	s0 =	simm.s32 @p0 $0x1  }
0x13: {  	[smem:$0x3FB7] =	sst s0;
	s0 =	simm.s32 @!p1 $0x0  }
0x14: {  	s2 =	sld [smem:$0x3F9B];
	s0 =	simm.s32 @p1 $0x1  }
0x15: {  	[smem:$0x3FB8] =	sst s0;
	s0 =	simm.s32 @!p2 $0x0  }
0x16: {  	s3 =	sld [smem:$0x3FDB];
	s0 =	simm.s32 @p2 $0x1  }
0x17: {  	s4 =	simm.s32 $0x1BF5;
	[smem:$0x3FBA] =	sst s0  }
0x18: {  	s0 =	sld [smem:$0x3F9D];
	_ =	swait.ge [sflag:s4], $0x0  }
0x19: {  	s7 =	sld [smem:$0x3F9E]  }
0x1a: {  	s8 =	sadd.s32 $0xFFFFE003, lr  }
0x1b: {  	s9 =	sadd.s32 $0xFFFFFEF7, lr;
	s5 =	simm.s32 $0xFFFFFFFF;
	p2 =	slt.u32 s8, $0xFFFFF086  }
0x1c: {  	p1 =	slt.u32 s9, $0xF7A;
	s5 =	simm.s32 @!p2 $0x0  }
0x1d: {  	s5 =	simm.s32 @p1 $0x1;
	p0 =	seq.s32 s7, s2  }
0x1e: {  	s7 =	smul.u32 @!p0 $0xF7A, s2;
	p2 =	seq.s32 @!p0 s5, $0x0  }
0x1f: {  	s9 =	smul.u32 $0xF7A, s1;
	s8 =	simm.s32 @!p0 $0x1BF5;
	p2 =	por !p2, p0  }
0x20: {  	[sflag:s8] =	ssyncset.s32 @!p0 $0xFFFFF086;
	s6 =	sadd.s32 @!p0 s3, s7;
	s7 =	simm.s32 @!p0 $0x108  }
0x21: {  	s3 =	sadd.s32 s3, s9;
	s6 =	sadd.s32 @!p0 $0x88, s6;
	s7 =	simm.s32 @p2 $0x1082  }
0x22: {  	[simem:s7], [sflag:s8] =	dma.local @!p0 [hbm:s6], $0xF7A  }
0x23: {  	s9 =	sor.u32 $0xD0000000, s2;
	s6 =	simm.s32 $0x108;
	_ =	swait.ge @!p0 [sflag:s8], $0x0  }
0x24: {  	s3 =	sadd.s32 $0x88, s3;
	s6 =	simm.s32 @!p1 $0x1082;
	[sflag:s4] =	ssyncset.s32 $0xFFFFF086  }
0x25: {  	[simem:s6], [sflag:s4] =	dma.local [hbm:s3], $0xF7A  }
0x26: {  	[smem:$0x3F9E] =	sst s1;
	(tag) =	ssettag s2;
	_ =	strace s9  }
0x27: {  	s1 =	sld [smem:$0x3FAE]  }
0x28: {  	s2 =	sld [smem:$0x3FAF]  }
0x29: {  	s4 =	sld [smem:$0x3FB1]  }
0x2a: {  	p0 =	seq.s32 s5, $0x0;
	s5 =	sld [smem:$0x3FB2]  }
0x2b: {  	s6 =	sld [smem:$0x3FB3]  }
0x2c: {  	s7 =	sld [smem:$0x3FB4]  }
0x2d: {  	s3 =	simm.s32 $0x108;
	s8 =	sld [smem:$0x3FB5]  }
0x2e: {  	s3 =	simm.s32 @!p0 $0x1082;
	s9 =	sld [smem:$0x3FB6]  }
0x2f: {  	lr =	sadd.s32 s0, s3;
	s0 =	sld [smem:$0x3FAD]  }
0x30: {  	s3 =	sld [smem:$0x3FB0]  }
0x31: {  	[smem:$0x3FB9] =	sst s10  }
0x32: {  	s10 =	sld [smem:$0x3FB7];
	_ =	sdelay $0x3  }
0x33: {  	p0 =	seq.s32 s10, $0x1;
	s10 =	sld [smem:$0x3FB9];
	_ =	sdelay $0x3  }
0x34: {  	[smem:$0x3FB9] =	sst s10  }
0x35: {  	s10 =	sld [smem:$0x3FB8];
	_ =	sdelay $0x3  }
0x36: {  	p1 =	seq.s32 s10, $0x1;
	s10 =	sld [smem:$0x3FB9];
	_ =	sdelay $0x3  }
0x37: {  	[smem:$0x3FB9] =	sst s10  }
0x38: {  	s10 =	sld [smem:$0x3FBA]  }
0x39: {  	_ = 	snop;
	(pc) =	sbr.ind lr, $3  }
0x3a: {  	_ = 	snop  }
0x3b: {  	_ = 	snop  }
0x3c: {  	p2 =	seq.s32 s10, $0x1;
	s10 =	sld [smem:$0x3FB9]  }
0x3d: {  	_ =	shalt  }
0x3e: {  	_ =	shalt  }
0x3f: {  	_ =	shalt  }
0x40: {  	_ =	shalt  }
0x41: {  	_ =	shalt  }
0x42: {  	_ =	shalt  }
0x43: {  	_ =	shalt  }
0x44: {  	_ =	shalt  }
0x45: {  	_ =	shalt  }
0x46: {  	_ =	shalt  }
0x47: {  	_ =	shalt  }
0x48: {  	_ =	shalt  }
0x49: {  	_ =	shalt  }
0x4a: {  	_ =	shalt  }
0x4b: {  	_ =	shalt  }
0x4c: {  	_ =	shalt  }
0x4d: {  	_ =	shalt  }
0x4e: {  	_ =	shalt  }
0x4f: {  	_ =	shalt  }
0x50: {  	_ =	shalt  }
0x51: {  	_ =	shalt  }
0x52: {  	_ =	shalt  }
0x53: {  	_ =	shalt  }
0x54: {  	_ =	shalt  }
0x55: {  	_ =	shalt  }
0x56: {  	_ =	shalt  }
0x57: {  	_ =	shalt  }
0x58: {  	_ =	shalt  }
0x59: {  	_ =	shalt  }
0x5a: {  	_ =	shalt  }
0x5b: {  	_ =	shalt  }
0x5c: {  	_ =	shalt  }
0x5d: {  	_ =	shalt  }
0x5e: {  	_ =	shalt  }
0x5f: {  	_ =	shalt  }
0x60: {  	_ =	shalt  }
0x61: {  	_ =	shalt  }
0x62: {  	_ =	shalt  }
0x63: {  	_ =	shalt  }
0x64: {  	_ =	shalt  }
0x65: {  	_ =	shalt  }
0x66: {  	_ =	shalt  }
0x67: {  	_ =	shalt  }
0x68: {  	_ =	shalt  }
0x69: {  	_ =	shalt  }
0x6a: {  	_ =	shalt  }
0x6b: {  	_ =	shalt  }
0x6c: {  	_ =	shalt  }
0x6d: {  	_ =	shalt  }
0x6e: {  	_ =	shalt  }
0x6f: {  	_ =	shalt  }
0x70: {  	_ =	shalt  }
0x71: {  	_ =	shalt  }
0x72: {  	_ =	shalt  }
0x73: {  	_ =	shalt  }
0x74: {  	_ =	shalt  }
0x75: {  	_ =	shalt  }
0x76: {  	_ =	shalt  }
0x77: {  	_ =	shalt  }
0x78: {  	_ =	shalt  }
0x79: {  	_ =	shalt  }
0x7a: {  	_ =	shalt  }
0x7b: {  	_ =	shalt  }
0x7c: {  	_ =	shalt  }
0x7d: {  	_ =	shalt  }
0x7e: {  	_ =	shalt  }
0x7f: {  	_ =	shalt  }
0x80: {  	_ =	shalt  }
0x81: {  	_ =	shalt  }
0x82: {  	_ =	shalt  }
0x83: {  	_ =	shalt  }
0x84: {  	_ =	shalt  }
0x85: {  	_ =	shalt  }
0x86: {  	_ =	shalt  }
0x87: {  	_ =	shalt  }
.Lfunc_end0:
.L_simem_size_0:
called_computation.1_lowered:
.L_overlay_start_0:
0x88: {  	s2 =	sld [smem:$0x3FD9]  }
0x89: {  	s3 =	sld [smem:$0x3FFE];
	_ =	sdelay $0x1  }
0x8a: {  	s1 =	srdreg.scid  }
0x8b: {  	s0 =	sand.u32 $0x1, s1  }
0x8c: {  	s17 =	sshll.u32 s0, $0xA;
	s2 =	sadd.s32 s3, s2  }
0x8d: {  	s2 =	sadd.s32 s2, s17  }
0x8e: {  	[smem:$0x3FC5] =	sst s2  }
0x8f: {  	_ = 	snop  }
0x90: {  	s2 =	sld [smem:$0x3FD0];
	(tm) =	ssettm $0x1  }
0x91: {  	s18 =	sld [smem:$0x3FFB];
	_ =	sdelay $0x3  }
0x92: {  	_ =	strace s18  }
0x93: {  	s3 =	sld [smem:$0x3FFC];
	_ =	sdelay $0x3  }
0x94: {  	_ =	strace s3  }
0x95: {  	s3 =	sld [smem:$0x3FFD];
	_ =	sdelay $0x3  }
0x96: {  	_ =	strace s3  }
0x97: {  	_ =	strace $0x8FFFFFFF  }
0x98: {  	s19 =	sld [smem:$0x3FDB];
	_ =	sdelay $0x1  }
0x99: {  	s4 =	simm.s32 $_scs_section_size  }
0x9a: {  	s5 =	simm.s32 $_size__tile_overlayer_lowered;
	s6 =	simm.s32 $_tile_overlayer_lowered  }
0x9b: {  	s22 =	simm.s32 $0x1BFF;
	s21 =	sshll.u32 s6, $0x1;
	s3 =	sadd.s32 s4, s19  }
0x9c: {  	s7 =	simm.s32 $0x0;
	s20 =	sshll.u32 s5, $0x1;
	s5 =	sadd.s32 s21, s3  }
0x9d: {  	[timem:s7], [sflag:s22] =	dma.local [hbm:s5], s20  }
0x9e: {  	_ =	swait.ge [sflag:s22], s20  }
0x9f: {  	s4 =	ssub.s32 $0x0, s20;
	[sflag:s22] =	ssyncset.done $0x0  }
0xa0: {  	[sflag:s22] =	ssyncadd.s32 s4;
	_ =	sdelay $0x1  }
0xa1: {  	s23 =	simm.s32 $0x1B8B  }
0xa2: {  	_ =	swait.ge [sflag:s23], $0x1  }
0xa3: {  	[sflag:s23] =	ssyncset.done $0x0  }
0xa4: {  	s25 =	simm.s32 $0x1B8E;
	s24 =	sld [smem:$0x3FFE];
	[sflag:s23] =	ssyncadd.s32 $0xFFFFFFFF  }
0xa5: {  	s26 =	simm.s32 $execute0_lowered;
	[smem:$0x3FD2] =	sst s25  }
0xa6: {  	s5 =	sshll.u32 s26, $0x1;
	_ =	strace $0x80000046;
	[dreg:$0x1] =	wrdreg $0xFFFFFFFF  }
0xa7: {  	s28 =	simm.s32 $_size_execute0_lowered;
	s3 =	sadd.s32 s3, s5;
	[dreg:$0x0] =	wrdreg $0x0  }
0xa8: {  	s5 =	sshll.u32 s28, $0x1;
	[dreg:$0x2] =	wrdreg s3  }
0xa9: {  	[dreg:$0x3] =	wrdreg s5  }
0xaa: {  	[dreg:$0x4] =	wrdreg $0xC0  }
0xab: {  	_ =	task [dreg:s7], $0x5FFFF  }
0xac: {  	[dreg:$0x1] =	wrdreg $0xFFFFFFFF  }
0xad: {  	[dreg:$0x0] =	wrdreg $0x60  }
0xae: {  	[dreg:$0x2] =	wrdreg s2  }
0xaf: {  	[dreg:$0x3] =	wrdreg s24  }
0xb0: {  	[dreg:$0x4] =	wrdreg $0x9  }
0xb1: {  	_ =	task.clear_ibuf [dreg:s7], $0x5FFFF;
	_ =	strace $0x90000046  }
0xb2: {  	s29 =	simm.s32 $0x9;
	_ =	strace $0x80000048  }
0xb3: {  	_ =	swait.ge [sflag:s29], $0x1  }
0xb4: {  	[sflag:s29] =	ssyncadd.s32 $0xFFFFFFFF  }
0xb5: {  	_ =	strace $0x90000048  }
0xb6: {  	_ =	sfence  }
0xb7: {  	s30 =	sld [smem:$0x0];
	_ =	sdelay $0x2  }
0xb8: {  	s31 =	sshll.u32 s1, $0xD;
	s1 =	sshrl.u32 s1, $0x2  }
0xb9: {  	s3 =	sand.u32 $0x4000, s31;
	s1 =	sadd.s32 s1, s30  }
0xba: {  	s0 =	sor.u32 s3, s0;
	s1 =	sshll.u32 s1, $0x11  }
0xbb: {  	s0 =	sor.u32 s1, s0  }
0xbc: {  	s0 =	sadd.s32 $0x8F2B, s0  }
0xbd: {  	[sflag:s0] =	ssyncadd.remote.s32 $0x1  }
0xbe: {  	_ =	sfence.sel $0xFFFF  }
0xbf: {  	[dreg:$0x0] =	wrdreg $0xFFFFFFFF;
	(pc) =	sbr.abs _section_cstart, $3  }
0xc0: {  	[dreg:$0x1] =	wrdreg $0xFFFFFFFF  }
0xc1: {  	_ =	task.clear_ibuf [dreg:s7], $0x2FFFF;
	_ =	strace $0x9FFFFFFF  }
0xc2: {  	(tm) =	ssettm $0x7FFFFFFF  }
0xc3: {  	_ =	shalt  }
tec
execute0_lowered:
.L_overlay_start_1:
0x0: {  	(tag) =	ssettag $0x1  }
0x1: {  	s0 =	rddreg [dreg:$0x0]  }
0x2: {  	s1 =	rddreg [dreg:$0x1];
	s2 =	simm.s32 $0x0;
	s3 =	srdreg.scid  }
0x3: {  	s4 =	stileid.u32;
	s12 =	simm.s32 $0x80;
	s13 =	simm.s32 $0x7D00  }
0x4: {  	s14 =	simm.s32 $0x48;
	s17 =	simm.s32 $0xAF00;
	s18 =	simm.s32 $0x148  }
0x5: {  	s19 =	simm.s32 $0xCF00;
	s20 =	simm.s32 $0xE100;
	s21 =	simm.s32 $0x10100  }
0x6: {  	s22 =	simm.s32 $0x11300;
	s23 =	simm.s32 $0x13300;
	s24 =	simm.s32 $0x1  }
0x7: {  	s25 =	simm.s32 $0x40;
	s26 =	simm.s32 $0x3;
	s28 =	simm.s32 $0x2  }
0x8: {  	s29 =	simm.s32 $0x4;
	s30 =	simm.s32 $0x0;
	[smem:$0x7FF] =	sst s2  }
0x9: {  	s3 =	sand.u32 $0x1, s3;
	s4 =	sshll.u32 s4, $0x1;
	s5 =	sadd.s32 $0x7C1000, s1  }
0xa: {  	_ =	strace $0x80000047;
	s6 =	ssub.s32 $0x2, s3;
	s7 =	sor.u32 s3, s4  }
0xb: {  	s3 =	sadd.s32 $0x1000, s1;
	s8 =	sshrl.u32 s6, $0x1;
	s9 =	smul.u32 $0x320, s7  }
0xc: {  	s4 =	sadd.s32 $0x800, s1;
	s31 =	ssub.s32 s6, s8;
	s6 =	smul.u32 $0x1900, s7  }
0xd: {  	s7 =	sadd.s32 s0, s9;
	s8 =	smax.u32 s31, $0x1;
	s9 =	simm.s32 $0x5  }
.LBB2_1:
0xe: {  	[tilespmem:s2], [sflag:$0x5] =	stream.linear.gather [hbm4b:s7+s2], $0x1900, $0x38;
	[tilespmem:$0x14500] =	vst v63  }
0xf: {  	_ =	swait.ge [sflag:s9], $0x1900  }
0x10: {  	[sflag:s9] =	ssyncset.done $0x0  }
0x11: {  	s0 =	simm.s32 $0x1900;
	[sflag:s9] =	ssyncadd.s32 $0xFFFFE700  }
0x12: {  	[tilespmem:s0], [sflag:$0x5] =	stream.linear.gather [hbm4b:s4+s2], $0x3200, $0x38;
	[tilespmem:$0x14500] =	vst v63  }
0x13: {  	_ =	swait.ge [sflag:s9], $0x3200  }
0x14: {  	[sflag:s9] =	ssyncset.done $0x0  }
0x15: {  	s11 =	simm.s32 $0x4B00;
	[sflag:s9] =	ssyncadd.s32 $0xFFFFCE00  }
0x16: {  	[tilespmem:s11], [sflag:$0x5] =	stream.linear.gather [hbm4b:s4+s2], $0x3200, $0x38;
	[tilespmem:$0x14500] =	vst v63  }
0x17: {  	_ =	swait.ge [sflag:s9], $0x3200  }
0x18: {  	[sflag:s9] =	ssyncset.done $0x0  }
0x19: {  	[sflag:s9] =	ssyncadd.s32 $0xFFFFCE00  }
0x1a: {  	[tilespmem:s13], [sflag:$0x1] =	stream.indirect.gather [hbm4b:s3+s12], $0x40, s2, s12, $0xb8;
	[tilespmem:$0x14500] =	vst v63  }
0x1b: {  	s15 =	simm.s32 $0x9D00  }
0x1c: {  	[tilespmem:s15], [sflag:$0x1] =	stream.indirect.gather [hbm4b:s3+s14], $0x40, s12, s14, $0xb8;
	[tilespmem:$0x14500] =	vst v63  }
0x1d: {  	s16 =	simm.s32 $0xC8  }
0x1e: {  	[tilespmem:s17], [sflag:$0x1] =	stream.indirect.gather [hbm4b:s3+s12], $0x40, s16, s12, $0xb8;
	[tilespmem:$0x14500] =	vst v63  }
0x1f: {  	s31 =	simm.s32 $0x0  }
0x20: {  	[tilespmem:s19], [sflag:$0x1] =	stream.indirect.gather [hbm4b:s3+s14], $0x40, s18, s14, $0xb8;
	[tilespmem:$0x14500] =	vst v63  }
.LBB2_2:
0x21: {  	p0 =	seq.s32 s31, $0x0  }
0x22: {  	s0 =	simm.s32 @!p0 $0x4  }
0x23: {  	s1 =	smul.u32 $0x320, s31;
	_ =	swait.ge @!p0 [sflag:s0], $0x6400  }
0x24: {  	[sflag:s0] =	ssyncset.done @!p0 $0x0  }
0x25: {  	[sflag:s0] =	ssyncadd.s32 @!p0 $0xFFFF9C00;
	s0 =	sadd.s32 $0x190, s1  }
0x26: {  	[tilespmem:s20], [sflag:$0x2] =	stream.indirect.gather [hbm4b:s3+s12], $0x40, s0, s12, $0xb8;
	[tilespmem:$0x14500] =	vst v63  }
0x27: {  	s10 =	sadd.s32 $0x210, s1  }
0x28: {  	[tilespmem:s21], [sflag:$0x2] =	stream.indirect.gather [hbm4b:s3+s14], $0x40, s10, s14, $0xb8;
	[tilespmem:$0x14500] =	vst v63  }
0x29: {  	s15 =	sadd.s32 $0x258, s1  }
0x2a: {  	[tilespmem:s22], [sflag:$0x2] =	stream.indirect.gather [hbm4b:s3+s12], $0x40, s15, s12, $0xb8;
	[tilespmem:$0x14500] =	vst v63  }
0x2b: {  	s16 =	sadd.s32 $0x2D8, s1  }
0x2c: {  	[tilespmem:s23], [sflag:$0x2] =	stream.indirect.gather [hbm4b:s3+s14], $0x40, s16, s14, $0xb8;
	[tilespmem:$0x14500] =	vst v63  }
0x2d: {  	_ =	swait.ge [sflag:s24], $0x6400  }
0x2e: {  	[sflag:s24] =	ssyncset.done $0x0  }
0x2f: {  	s10 =	simm.s32 $0x7E00;
	[sflag:s24] =	ssyncadd.s32 $0xFFFF9C00  }
0x30: {  	s11 =	simm.s32 $0x1A00;
	v0 =	vld [tilespmem:s10+$0xFFFFFF00]  }
0x31: {  	v1 =	vld [tilespmem:s11+$0xFFFFFF00];
	_ =	sdelay $0x4  }
0x32: {  	v0 =	vadd.f32 v1, v0;
	_ =	sdelay $0x1  }
0x33: {  	[tilespmem:s10+$0xFFFFFF00] =	vst v0;
	v0 =	vld [tilespmem:s10+$0xFFFFFF10]  }
0x34: {  	v1 =	vld [tilespmem:s11+$0xFFFFFF10];
	_ =	sdelay $0x4  }
0x35: {  	v0 =	vadd.f32 v1, v0;
	_ =	sdelay $0x1  }
0x36: {  	[tilespmem:s10+$0xFFFFFF10] =	vst v0;
	v0 =	vld [tilespmem:s10+$0xFFFFFF20]  }
0x37: {  	v1 =	vld [tilespmem:s11+$0xFFFFFF20];
	_ =	sdelay $0x4  }
0x38: {  	v0 =	vadd.f32 v1, v0;
	_ =	sdelay $0x1  }
0x39: {  	[tilespmem:s10+$0xFFFFFF20] =	vst v0;
	v0 =	vld [tilespmem:s10+$0xFFFFFF30]  }
0x3a: {  	v1 =	vld [tilespmem:s11+$0xFFFFFF30];
	_ =	sdelay $0x4  }
0x3b: {  	v0 =	vadd.f32 v1, v0;
	_ =	sdelay $0x1  }
0x3c: {  	[tilespmem:s10+$0xFFFFFF30] =	vst v0;
	v0 =	vld [tilespmem:s10+$0xFFFFFF40]  }
0x3d: {  	v1 =	vld [tilespmem:s11+$0xFFFFFF40];
	_ =	sdelay $0x4  }
0x3e: {  	v0 =	vadd.f32 v1, v0;
	_ =	sdelay $0x1  }
0x3f: {  	[tilespmem:s10+$0xFFFFFF40] =	vst v0;
	v0 =	vld [tilespmem:s10+$0xFFFFFF50]  }
0x40: {  	v1 =	vld [tilespmem:s11+$0xFFFFFF50];
	_ =	sdelay $0x4  }
0x41: {  	v0 =	vadd.f32 v1, v0;
	_ =	sdelay $0x1  }
0x42: {  	[tilespmem:s10+$0xFFFFFF50] =	vst v0;
	v0 =	vld [tilespmem:s10+$0xFFFFFF60]  }
0x43: {  	v1 =	vld [tilespmem:s11+$0xFFFFFF60];
	_ =	sdelay $0x4  }
0x44: {  	v0 =	vadd.f32 v1, v0;
	_ =	sdelay $0x1  }
0x45: {  	[tilespmem:s10+$0xFFFFFF60] =	vst v0;
	v0 =	vld [tilespmem:s10+$0xFFFFFF70]  }
0x46: {  	v1 =	vld [tilespmem:s11+$0xFFFFFF70];
	_ =	sdelay $0x4  }
0x47: {  	v0 =	vadd.f32 v1, v0;
	_ =	sdelay $0x1  }
0x48: {  	[tilespmem:s10+$0xFFFFFF70] =	vst v0;
	v0 =	vld [tilespmem:s10+$0xFFFFFF80]  }
0x49: {  	v1 =	vld [tilespmem:s11+$0xFFFFFF80];
	_ =	sdelay $0x4  }
0x4a: {  	v0 =	vadd.f32 v1, v0;
	_ =	sdelay $0x1  }
0x4b: {  	[tilespmem:s10+$0xFFFFFF80] =	vst v0;
	v0 =	vld [tilespmem:s10+$0xFFFFFF90]  }
0x4c: {  	v1 =	vld [tilespmem:s11+$0xFFFFFF90];
	_ =	sdelay $0x4  }
0x4d: {  	v0 =	vadd.f32 v1, v0;
	_ =	sdelay $0x1  }
0x4e: {  	[tilespmem:s10+$0xFFFFFF90] =	vst v0;
	v0 =	vld [tilespmem:s10+$0xFFFFFFA0]  }
0x4f: {  	v1 =	vld [tilespmem:s11+$0xFFFFFFA0];
	_ =	sdelay $0x4  }
0x50: {  	v0 =	vadd.f32 v1, v0;
	_ =	sdelay $0x1  }
0x51: {  	[tilespmem:s10+$0xFFFFFFA0] =	vst v0;
	v0 =	vld [tilespmem:s10+$0xFFFFFFB0]  }
0x52: {  	v1 =	vld [tilespmem:s11+$0xFFFFFFB0];
	_ =	sdelay $0x4  }
0x53: {  	v0 =	vadd.f32 v1, v0;
	_ =	sdelay $0x1  }
0x54: {  	[tilespmem:s10+$0xFFFFFFB0] =	vst v0;
	v0 =	vld [tilespmem:s10+$0xFFFFFFC0]  }
0x55: {  	v1 =	vld [tilespmem:s11+$0xFFFFFFC0];
	_ =	sdelay $0x4  }
0x56: {  	v0 =	vadd.f32 v1, v0;
	_ =	sdelay $0x1  }
0x57: {  	[tilespmem:s10+$0xFFFFFFC0] =	vst v0;
	v0 =	vld [tilespmem:s10+$0xFFFFFFD0]  }
0x58: {  	v1 =	vld [tilespmem:s11+$0xFFFFFFD0];
	_ =	sdelay $0x4  }
0x59: {  	v0 =	vadd.f32 v1, v0;
	_ =	sdelay $0x1  }
0x5a: {  	[tilespmem:s10+$0xFFFFFFD0] =	vst v0;
	v0 =	vld [tilespmem:s10+$0xFFFFFFE0]  }
0x5b: {  	v1 =	vld [tilespmem:s11+$0xFFFFFFE0];
	_ =	sdelay $0x4  }
0x5c: {  	v0 =	vadd.f32 v1, v0;
	_ =	sdelay $0x1  }
0x5d: {  	[tilespmem:s10+$0xFFFFFFE0] =	vst v0;
	v0 =	vld [tilespmem:s10+$0xFFFFFFF0]  }
0x5e: {  	v1 =	vld [tilespmem:s11+$0xFFFFFFF0];
	_ =	sdelay $0x4  }
0x5f: {  	v0 =	vadd.f32 v1, v0;
	_ =	sdelay $0x1  }
0x60: {  	[tilespmem:s10+$0xFFFFFFF0] =	vst v0;
	v0 =	vld [tilespmem:s10+$0x0]  }
0x61: {  	v1 =	vld [tilespmem:s11+$0x0];
	_ =	sdelay $0x4  }
0x62: {  	v0 =	vadd.f32 v1, v0;
	_ =	sdelay $0x1  }
0x63: {  	[tilespmem:s10+$0x0] =	vst v0;
	v0 =	vld [tilespmem:s10+$0x10]  }
0x64: {  	v1 =	vld [tilespmem:s11+$0x10];
	_ =	sdelay $0x4  }
0x65: {  	v0 =	vadd.f32 v1, v0;
	_ =	sdelay $0x1  }
0x66: {  	[tilespmem:s10+$0x10] =	vst v0;
	v0 =	vld [tilespmem:s10+$0x20]  }
0x67: {  	v1 =	vld [tilespmem:s11+$0x20];
	_ =	sdelay $0x4  }
0x68: {  	v0 =	vadd.f32 v1, v0;
	_ =	sdelay $0x1  }
0x69: {  	[tilespmem:s10+$0x20] =	vst v0;
	v0 =	vld [tilespmem:s10+$0x30]  }
0x6a: {  	v1 =	vld [tilespmem:s11+$0x30];
	_ =	sdelay $0x4  }
0x6b: {  	v0 =	vadd.f32 v1, v0;
	_ =	sdelay $0x1  }
0x6c: {  	[tilespmem:s10+$0x30] =	vst v0;
	v0 =	vld [tilespmem:s10+$0x40]  }
0x6d: {  	v1 =	vld [tilespmem:s11+$0x40];
	_ =	sdelay $0x4  }
0x6e: {  	v0 =	vadd.f32 v1, v0;
	_ =	sdelay $0x1  }
0x6f: {  	[tilespmem:s10+$0x40] =	vst v0;
	v0 =	vld [tilespmem:s10+$0x50]  }
0x70: {  	v1 =	vld [tilespmem:s11+$0x50];
	_ =	sdelay $0x4  }
0x71: {  	v0 =	vadd.f32 v1, v0;
	_ =	sdelay $0x1  }
0x72: {  	[tilespmem:s10+$0x50] =	vst v0;
	v0 =	vld [tilespmem:s10+$0x60]  }
0x73: {  	v1 =	vld [tilespmem:s11+$0x60];
	_ =	sdelay $0x4  }
0x74: {  	v0 =	vadd.f32 v1, v0;
	_ =	sdelay $0x1  }
0x75: {  	[tilespmem:s10+$0x60] =	vst v0;
	v0 =	vld [tilespmem:s10+$0x70]  }
0x76: {  	v1 =	vld [tilespmem:s11+$0x70];
	_ =	sdelay $0x4  }
0x77: {  	v0 =	vadd.f32 v1, v0;
	_ =	sdelay $0x1  }
0x78: {  	[tilespmem:s10+$0x70] =	vst v0;
	v0 =	vld [tilespmem:s10+$0x80]  }
0x79: {  	v1 =	vld [tilespmem:s11+$0x80];
	_ =	sdelay $0x4  }
0x7a: {  	v0 =	vadd.f32 v1, v0;
	_ =	sdelay $0x1  }
0x7b: {  	[tilespmem:s10+$0x80] =	vst v0;
	v0 =	vld [tilespmem:s10+$0x90]  }
0x7c: {  	v1 =	vld [tilespmem:s11+$0x90];
	_ =	sdelay $0x4  }
0x7d: {  	v0 =	vadd.f32 v1, v0;
	_ =	sdelay $0x1  }
0x7e: {  	[tilespmem:s10+$0x90] =	vst v0;
	v0 =	vld [tilespmem:s10+$0xA0]  }
0x7f: {  	v1 =	vld [tilespmem:s11+$0xA0];
	_ =	sdelay $0x4  }
0x80: {  	v0 =	vadd.f32 v1, v0;
	_ =	sdelay $0x1  }
0x81: {  	[tilespmem:s10+$0xA0] =	vst v0;
	v0 =	vld [tilespmem:s10+$0xB0]  }
0x82: {  	v1 =	vld [tilespmem:s11+$0xB0];
	_ =	sdelay $0x4  }
0x83: {  	v0 =	vadd.f32 v1, v0;
	_ =	sdelay $0x1  }
0x84: {  	[tilespmem:s10+$0xB0] =	vst v0;
	v0 =	vld [tilespmem:s10+$0xC0]  }
0x85: {  	v1 =	vld [tilespmem:s11+$0xC0];
	_ =	sdelay $0x4  }
0x86: {  	v0 =	vadd.f32 v1, v0;
	_ =	sdelay $0x1  }
0x87: {  	[tilespmem:s10+$0xC0] =	vst v0;
	v0 =	vld [tilespmem:s10+$0xD0]  }
0x88: {  	v1 =	vld [tilespmem:s11+$0xD0];
	_ =	sdelay $0x4  }
0x89: {  	v0 =	vadd.f32 v1, v0;
	_ =	sdelay $0x1  }
0x8a: {  	[tilespmem:s10+$0xD0] =	vst v0;
	v0 =	vld [tilespmem:s10+$0xE0]  }
0x8b: {  	v1 =	vld [tilespmem:s11+$0xE0];
	_ =	sdelay $0x4  }
0x8c: {  	v0 =	vadd.f32 v1, v0;
	_ =	sdelay $0x1  }
0x8d: {  	[tilespmem:s10+$0xE0] =	vst v0;
	v0 =	vld [tilespmem:s10+$0xF0]  }
0x8e: {  	v1 =	vld [tilespmem:s11+$0xF0];
	_ =	sdelay $0x4  }
0x8f: {  	v0 =	vadd.f32 v1, v0  }
0x90: {  	s15 =	simm.s32 $0x0;
	s16 =	simm.s32 $0x8000  }
.LBB2_3:
0x91: {  	v1 =	vld [tilespmem:s16+$0xFFFFFF00];
	[tilespmem:s10+$0xF0] =	vst v0;
	s11 =	sadd.s32 $0x200, s11;
	s10 =	smov.u32 s16  }
0x92: {  	s15 =	sadd.s32 $0x8, s15;
	v0 =	vld [tilespmem:s11+$0xFFFFFF00]  }
0x93: {  	p0 =	slt.u32 s15, $0x188;
	_ =	sdelay $0x3  }
0x94: {  	v0 =	vadd.f32 v0, v1;
	_ =	sdelay $0x1  }
0x95: {  	[tilespmem:s16+$0xFFFFFF00] =	vst v0;
	v0 =	vld [tilespmem:s16+$0xFFFFFF10]  }
0x96: {  	v1 =	vld [tilespmem:s11+$0xFFFFFF10];
	_ =	sdelay $0x4  }
0x97: {  	v0 =	vadd.f32 v1, v0;
	_ =	sdelay $0x1  }
0x98: {  	[tilespmem:s16+$0xFFFFFF10] =	vst v0;
	v0 =	vld [tilespmem:s16+$0xFFFFFF20]  }
0x99: {  	v1 =	vld [tilespmem:s11+$0xFFFFFF20];
	_ =	sdelay $0x4  }
0x9a: {  	v0 =	vadd.f32 v1, v0;
	_ =	sdelay $0x1  }
0x9b: {  	[tilespmem:s16+$0xFFFFFF20] =	vst v0;
	v0 =	vld [tilespmem:s16+$0xFFFFFF30]  }
0x9c: {  	v1 =	vld [tilespmem:s11+$0xFFFFFF30];
	_ =	sdelay $0x4  }
0x9d: {  	v0 =	vadd.f32 v1, v0;
	_ =	sdelay $0x1  }
0x9e: {  	[tilespmem:s16+$0xFFFFFF30] =	vst v0;
	v0 =	vld [tilespmem:s16+$0xFFFFFF40]  }
0x9f: {  	v1 =	vld [tilespmem:s11+$0xFFFFFF40];
	_ =	sdelay $0x4  }
0xa0: {  	v0 =	vadd.f32 v1, v0;
	_ =	sdelay $0x1  }
0xa1: {  	[tilespmem:s16+$0xFFFFFF40] =	vst v0;
	v0 =	vld [tilespmem:s16+$0xFFFFFF50]  }
0xa2: {  	v1 =	vld [tilespmem:s11+$0xFFFFFF50];
	_ =	sdelay $0x4  }
0xa3: {  	v0 =	vadd.f32 v1, v0;
	_ =	sdelay $0x1  }
0xa4: {  	[tilespmem:s16+$0xFFFFFF50] =	vst v0;
	v0 =	vld [tilespmem:s16+$0xFFFFFF60]  }
0xa5: {  	v1 =	vld [tilespmem:s11+$0xFFFFFF60];
	_ =	sdelay $0x4  }
0xa6: {  	v0 =	vadd.f32 v1, v0;
	_ =	sdelay $0x1  }
0xa7: {  	[tilespmem:s16+$0xFFFFFF60] =	vst v0;
	v0 =	vld [tilespmem:s16+$0xFFFFFF70]  }
0xa8: {  	v1 =	vld [tilespmem:s11+$0xFFFFFF70];
	_ =	sdelay $0x4  }
0xa9: {  	v0 =	vadd.f32 v1, v0;
	_ =	sdelay $0x1  }
0xaa: {  	[tilespmem:s16+$0xFFFFFF70] =	vst v0;
	v0 =	vld [tilespmem:s16+$0xFFFFFF80]  }
0xab: {  	v1 =	vld [tilespmem:s11+$0xFFFFFF80];
	_ =	sdelay $0x4  }
0xac: {  	v0 =	vadd.f32 v1, v0;
	_ =	sdelay $0x1  }
0xad: {  	[tilespmem:s16+$0xFFFFFF80] =	vst v0;
	v0 =	vld [tilespmem:s16+$0xFFFFFF90]  }
0xae: {  	v1 =	vld [tilespmem:s11+$0xFFFFFF90];
	_ =	sdelay $0x4  }
0xaf: {  	v0 =	vadd.f32 v1, v0;
	_ =	sdelay $0x1  }
0xb0: {  	[tilespmem:s16+$0xFFFFFF90] =	vst v0;
	v0 =	vld [tilespmem:s16+$0xFFFFFFA0]  }
0xb1: {  	v1 =	vld [tilespmem:s11+$0xFFFFFFA0];
	_ =	sdelay $0x4  }
0xb2: {  	v0 =	vadd.f32 v1, v0;
	_ =	sdelay $0x1  }
0xb3: {  	[tilespmem:s16+$0xFFFFFFA0] =	vst v0;
	v0 =	vld [tilespmem:s16+$0xFFFFFFB0]  }
0xb4: {  	v1 =	vld [tilespmem:s11+$0xFFFFFFB0];
	_ =	sdelay $0x4  }
0xb5: {  	v0 =	vadd.f32 v1, v0;
	_ =	sdelay $0x1  }
0xb6: {  	[tilespmem:s16+$0xFFFFFFB0] =	vst v0;
	v0 =	vld [tilespmem:s16+$0xFFFFFFC0]  }
0xb7: {  	v1 =	vld [tilespmem:s11+$0xFFFFFFC0];
	_ =	sdelay $0x4  }
0xb8: {  	v0 =	vadd.f32 v1, v0;
	_ =	sdelay $0x1  }
0xb9: {  	[tilespmem:s16+$0xFFFFFFC0] =	vst v0;
	v0 =	vld [tilespmem:s16+$0xFFFFFFD0]  }
0xba: {  	v1 =	vld [tilespmem:s11+$0xFFFFFFD0];
	_ =	sdelay $0x4  }
0xbb: {  	v0 =	vadd.f32 v1, v0;
	_ =	sdelay $0x1  }
0xbc: {  	[tilespmem:s16+$0xFFFFFFD0] =	vst v0;
	v0 =	vld [tilespmem:s16+$0xFFFFFFE0]  }
0xbd: {  	v1 =	vld [tilespmem:s11+$0xFFFFFFE0];
	_ =	sdelay $0x4  }
0xbe: {  	v0 =	vadd.f32 v1, v0;
	_ =	sdelay $0x1  }
0xbf: {  	[tilespmem:s16+$0xFFFFFFE0] =	vst v0;
	v0 =	vld [tilespmem:s16+$0xFFFFFFF0]  }
0xc0: {  	v1 =	vld [tilespmem:s11+$0xFFFFFFF0];
	_ =	sdelay $0x4  }
0xc1: {  	v0 =	vadd.f32 v1, v0;
	_ =	sdelay $0x1  }
0xc2: {  	[tilespmem:s16+$0xFFFFFFF0] =	vst v0;
	v0 =	vld [tilespmem:s16+$0x0]  }
0xc3: {  	v1 =	vld [tilespmem:s11+$0x0];
	_ =	sdelay $0x4  }
0xc4: {  	v0 =	vadd.f32 v1, v0;
	_ =	sdelay $0x1  }
0xc5: {  	[tilespmem:s16+$0x0] =	vst v0;
	v0 =	vld [tilespmem:s16+$0x10]  }
0xc6: {  	v1 =	vld [tilespmem:s11+$0x10];
	_ =	sdelay $0x4  }
0xc7: {  	v0 =	vadd.f32 v1, v0;
	_ =	sdelay $0x1  }
0xc8: {  	[tilespmem:s16+$0x10] =	vst v0;
	v0 =	vld [tilespmem:s16+$0x20]  }
0xc9: {  	v1 =	vld [tilespmem:s11+$0x20];
	_ =	sdelay $0x4  }
0xca: {  	v0 =	vadd.f32 v1, v0;
	_ =	sdelay $0x1  }
0xcb: {  	[tilespmem:s16+$0x20] =	vst v0;
	v0 =	vld [tilespmem:s16+$0x30]  }
0xcc: {  	v1 =	vld [tilespmem:s11+$0x30];
	_ =	sdelay $0x4  }
0xcd: {  	v0 =	vadd.f32 v1, v0;
	_ =	sdelay $0x1  }
0xce: {  	[tilespmem:s16+$0x30] =	vst v0;
	v0 =	vld [tilespmem:s16+$0x40]  }
0xcf: {  	v1 =	vld [tilespmem:s11+$0x40];
	_ =	sdelay $0x4  }
0xd0: {  	v0 =	vadd.f32 v1, v0;
	_ =	sdelay $0x1  }
0xd1: {  	[tilespmem:s16+$0x40] =	vst v0;
	v0 =	vld [tilespmem:s16+$0x50]  }
0xd2: {  	v1 =	vld [tilespmem:s11+$0x50];
	_ =	sdelay $0x4  }
0xd3: {  	v0 =	vadd.f32 v1, v0;
	_ =	sdelay $0x1  }
0xd4: {  	[tilespmem:s16+$0x50] =	vst v0;
	v0 =	vld [tilespmem:s16+$0x60]  }
0xd5: {  	v1 =	vld [tilespmem:s11+$0x60];
	_ =	sdelay $0x4  }
0xd6: {  	v0 =	vadd.f32 v1, v0;
	_ =	sdelay $0x1  }
0xd7: {  	[tilespmem:s16+$0x60] =	vst v0;
	v0 =	vld [tilespmem:s16+$0x70]  }
0xd8: {  	v1 =	vld [tilespmem:s11+$0x70];
	_ =	sdelay $0x4  }
0xd9: {  	v0 =	vadd.f32 v1, v0;
	_ =	sdelay $0x1  }
0xda: {  	[tilespmem:s16+$0x70] =	vst v0;
	v0 =	vld [tilespmem:s16+$0x80]  }
0xdb: {  	v1 =	vld [tilespmem:s11+$0x80];
	_ =	sdelay $0x4  }
0xdc: {  	v0 =	vadd.f32 v1, v0;
	_ =	sdelay $0x1  }
0xdd: {  	[tilespmem:s16+$0x80] =	vst v0;
	v0 =	vld [tilespmem:s16+$0x90]  }
0xde: {  	v1 =	vld [tilespmem:s11+$0x90];
	_ =	sdelay $0x4  }
0xdf: {  	v0 =	vadd.f32 v1, v0;
	_ =	sdelay $0x1  }
0xe0: {  	[tilespmem:s16+$0x90] =	vst v0;
	v0 =	vld [tilespmem:s16+$0xA0]  }
0xe1: {  	v1 =	vld [tilespmem:s11+$0xA0];
	_ =	sdelay $0x4  }
0xe2: {  	v0 =	vadd.f32 v1, v0;
	_ =	sdelay $0x1  }
0xe3: {  	[tilespmem:s16+$0xA0] =	vst v0;
	v0 =	vld [tilespmem:s16+$0xB0]  }
0xe4: {  	v1 =	vld [tilespmem:s11+$0xB0];
	_ =	sdelay $0x4  }
0xe5: {  	v0 =	vadd.f32 v1, v0;
	_ =	sdelay $0x1  }
0xe6: {  	[tilespmem:s16+$0xB0] =	vst v0;
	v0 =	vld [tilespmem:s16+$0xC0]  }
0xe7: {  	v1 =	vld [tilespmem:s11+$0xC0];
	_ =	sdelay $0x4  }
0xe8: {  	v0 =	vadd.f32 v1, v0;
	_ =	sdelay $0x1  }
0xe9: {  	[tilespmem:s16+$0xC0] =	vst v0;
	v0 =	vld [tilespmem:s16+$0xD0]  }
0xea: {  	v1 =	vld [tilespmem:s11+$0xD0];
	_ =	sdelay $0x4  }
0xeb: {  	v0 =	vadd.f32 v1, v0;
	_ =	sdelay $0x1  }
0xec: {  	[tilespmem:s16+$0xD0] =	vst v0;
	v0 =	vld [tilespmem:s16+$0xE0]  }
0xed: {  	v1 =	vld [tilespmem:s11+$0xE0];
	_ =	sdelay $0x4  }
0xee: {  	v0 =	vadd.f32 v1, v0;
	_ =	sdelay $0x1  }
0xef: {  	[tilespmem:s16+$0xE0] =	vst v0;
	v0 =	vld [tilespmem:s16+$0xF0]  }
0xf0: {  	v1 =	vld [tilespmem:s11+$0xF0];
	_ =	sdelay $0x1  }
.Ltmp0:
0xf1: {  	(pc) =	sbr.rel @p0 .LBB2_3-.Ltmp0, $3  }
0xf2: {  	_ =	sdelay $0x1  }
0xf3: {  	v0 =	vadd.f32 v1, v0  }
0xf4: {  	s16 =	sadd.s32 $0x200, s16  }
0xf5: {  	s1 =	sadd.s32 s6, s1  }
0xf6: {  	s1 =	sshll.u32 s1, $0x4  }
0xf7: {  	[tilespmem:s10+$0xF0] =	vst v0;
	p0 =	seq.s32 s31, $0x7;
	s1 =	sadd.s32 s5, s1  }
0xf8: {  	[hbm4b:s1+s25] =	stream.strided.scatter [tilespmem:s13], [sflag:$0x3], $0x6400, s12, s25, $0x38;
	[tilespmem:$0x14500] =	vst v63  }
0xf9: {  	s1 =	smul.u32 @!p0 $0xC80, s31  }
0xfa: {  	_ =	swait.ge [sflag:s26], $0x6400  }
0xfb: {  	s11 =	simm.s32 @!p0 $0x80;
	[sflag:s26] =	ssyncset.done $0x0;
	s1 =	sshra.s32 @!p0 s1, $0x2  }
0xfc: {  	s15 =	simm.s32 @!p0 $0x7D00;
	[sflag:s26] =	ssyncadd.s32 $0xFFFF9C00;
	s10 =	sadd.s32 @!p0 $0x320, s1  }
0xfd: {  	[tilespmem:s15], [sflag:$0x1] =	stream.indirect.gather @!p0 [hbm4b:s3+s11], $0x40, s10, s11, $0xb8;
	[tilespmem:$0x14500] =	vst v63  }
0xfe: {  	s16 =	simm.s32 @!p0 $0x9D00;
	s10 =	sadd.s32 @!p0 $0x3A0, s1;
	s15 =	simm.s32 @!p0 $0x48  }
0xff: {  	[tilespmem:s16], [sflag:$0x1] =	stream.indirect.gather @!p0 [hbm4b:s3+s15], $0x40, s10, s15, $0xb8;
	[tilespmem:$0x14500] =	vst v63  }
0x100: {  	s10 =	sadd.s32 @!p0 $0x3E8, s1;
	s16 =	simm.s32 @!p0 $0xAF00  }
0x101: {  	[tilespmem:s16], [sflag:$0x1] =	stream.indirect.gather @!p0 [hbm4b:s3+s11], $0x40, s10, s11, $0xb8;
	[tilespmem:$0x14500] =	vst v63  }
0x102: {  	s1 =	sadd.s32 @!p0 $0x468, s1;
	s10 =	simm.s32 @!p0 $0xCF00  }
0x103: {  	[tilespmem:s10], [sflag:$0x1] =	stream.indirect.gather @!p0 [hbm4b:s3+s15], $0x40, s1, s15, $0xb8;
	[tilespmem:$0x14500] =	vst v63  }
0x104: {  	_ =	swait.ge [sflag:s28], $0x6400  }
0x105: {  	[sflag:s28] =	ssyncset.done $0x0  }
0x106: {  	s1 =	simm.s32 $0xE200;
	[sflag:s28] =	ssyncadd.s32 $0xFFFF9C00  }
0x107: {  	s10 =	simm.s32 $0x1A00;
	v0 =	vld [tilespmem:s1+$0xFFFFFF00]  }
0x108: {  	v1 =	vld [tilespmem:s10+$0xFFFFFF00];
	_ =	sdelay $0x4  }
0x109: {  	v0 =	vadd.f32 v1, v0;
	_ =	sdelay $0x1  }
0x10a: {  	[tilespmem:s1+$0xFFFFFF00] =	vst v0;
	v0 =	vld [tilespmem:s1+$0xFFFFFF10]  }
0x10b: {  	v1 =	vld [tilespmem:s10+$0xFFFFFF10];
	_ =	sdelay $0x4  }
0x10c: {  	v0 =	vadd.f32 v1, v0;
	_ =	sdelay $0x1  }
0x10d: {  	[tilespmem:s1+$0xFFFFFF10] =	vst v0;
	v0 =	vld [tilespmem:s1+$0xFFFFFF20]  }
0x10e: {  	v1 =	vld [tilespmem:s10+$0xFFFFFF20];
	_ =	sdelay $0x4  }
0x10f: {  	v0 =	vadd.f32 v1, v0;
	_ =	sdelay $0x1  }
0x110: {  	[tilespmem:s1+$0xFFFFFF20] =	vst v0;
	v0 =	vld [tilespmem:s1+$0xFFFFFF30]  }
0x111: {  	v1 =	vld [tilespmem:s10+$0xFFFFFF30];
	_ =	sdelay $0x4  }
0x112: {  	v0 =	vadd.f32 v1, v0;
	_ =	sdelay $0x1  }
0x113: {  	[tilespmem:s1+$0xFFFFFF30] =	vst v0;
	v0 =	vld [tilespmem:s1+$0xFFFFFF40]  }
0x114: {  	v1 =	vld [tilespmem:s10+$0xFFFFFF40];
	_ =	sdelay $0x4  }
0x115: {  	v0 =	vadd.f32 v1, v0;
	_ =	sdelay $0x1  }
0x116: {  	[tilespmem:s1+$0xFFFFFF40] =	vst v0;
	v0 =	vld [tilespmem:s1+$0xFFFFFF50]  }
0x117: {  	v1 =	vld [tilespmem:s10+$0xFFFFFF50];
	_ =	sdelay $0x4  }
0x118: {  	v0 =	vadd.f32 v1, v0;
	_ =	sdelay $0x1  }
0x119: {  	[tilespmem:s1+$0xFFFFFF50] =	vst v0;
	v0 =	vld [tilespmem:s1+$0xFFFFFF60]  }
0x11a: {  	v1 =	vld [tilespmem:s10+$0xFFFFFF60];
	_ =	sdelay $0x4  }
0x11b: {  	v0 =	vadd.f32 v1, v0;
	_ =	sdelay $0x1  }
0x11c: {  	[tilespmem:s1+$0xFFFFFF60] =	vst v0;
	v0 =	vld [tilespmem:s1+$0xFFFFFF70]  }
0x11d: {  	v1 =	vld [tilespmem:s10+$0xFFFFFF70];
	_ =	sdelay $0x4  }
0x11e: {  	v0 =	vadd.f32 v1, v0;
	_ =	sdelay $0x1  }
0x11f: {  	[tilespmem:s1+$0xFFFFFF70] =	vst v0;
	v0 =	vld [tilespmem:s1+$0xFFFFFF80]  }
0x120: {  	v1 =	vld [tilespmem:s10+$0xFFFFFF80];
	_ =	sdelay $0x4  }
0x121: {  	v0 =	vadd.f32 v1, v0;
	_ =	sdelay $0x1  }
0x122: {  	[tilespmem:s1+$0xFFFFFF80] =	vst v0;
	v0 =	vld [tilespmem:s1+$0xFFFFFF90]  }
0x123: {  	v1 =	vld [tilespmem:s10+$0xFFFFFF90];
	_ =	sdelay $0x4  }
0x124: {  	v0 =	vadd.f32 v1, v0;
	_ =	sdelay $0x1  }
0x125: {  	[tilespmem:s1+$0xFFFFFF90] =	vst v0;
	v0 =	vld [tilespmem:s1+$0xFFFFFFA0]  }
0x126: {  	v1 =	vld [tilespmem:s10+$0xFFFFFFA0];
	_ =	sdelay $0x4  }
0x127: {  	v0 =	vadd.f32 v1, v0;
	_ =	sdelay $0x1  }
0x128: {  	[tilespmem:s1+$0xFFFFFFA0] =	vst v0;
	v0 =	vld [tilespmem:s1+$0xFFFFFFB0]  }
0x129: {  	v1 =	vld [tilespmem:s10+$0xFFFFFFB0];
	_ =	sdelay $0x4  }
0x12a: {  	v0 =	vadd.f32 v1, v0;
	_ =	sdelay $0x1  }
0x12b: {  	[tilespmem:s1+$0xFFFFFFB0] =	vst v0;
	v0 =	vld [tilespmem:s1+$0xFFFFFFC0]  }
0x12c: {  	v1 =	vld [tilespmem:s10+$0xFFFFFFC0];
	_ =	sdelay $0x4  }
0x12d: {  	v0 =	vadd.f32 v1, v0;
	_ =	sdelay $0x1  }
0x12e: {  	[tilespmem:s1+$0xFFFFFFC0] =	vst v0;
	v0 =	vld [tilespmem:s1+$0xFFFFFFD0]  }
0x12f: {  	v1 =	vld [tilespmem:s10+$0xFFFFFFD0];
	_ =	sdelay $0x4  }
0x130: {  	v0 =	vadd.f32 v1, v0;
	_ =	sdelay $0x1  }
0x131: {  	[tilespmem:s1+$0xFFFFFFD0] =	vst v0;
	v0 =	vld [tilespmem:s1+$0xFFFFFFE0]  }
0x132: {  	v1 =	vld [tilespmem:s10+$0xFFFFFFE0];
	_ =	sdelay $0x4  }
0x133: {  	v0 =	vadd.f32 v1, v0;
	_ =	sdelay $0x1  }
0x134: {  	[tilespmem:s1+$0xFFFFFFE0] =	vst v0;
	v0 =	vld [tilespmem:s1+$0xFFFFFFF0]  }
0x135: {  	v1 =	vld [tilespmem:s10+$0xFFFFFFF0];
	_ =	sdelay $0x4  }
0x136: {  	v0 =	vadd.f32 v1, v0;
	_ =	sdelay $0x1  }
0x137: {  	[tilespmem:s1+$0xFFFFFFF0] =	vst v0;
	v0 =	vld [tilespmem:s1+$0x0]  }
0x138: {  	v1 =	vld [tilespmem:s10+$0x0];
	_ =	sdelay $0x4  }
0x139: {  	v0 =	vadd.f32 v1, v0;
	_ =	sdelay $0x1  }
0x13a: {  	[tilespmem:s1+$0x0] =	vst v0;
	v0 =	vld [tilespmem:s1+$0x10]  }
0x13b: {  	v1 =	vld [tilespmem:s10+$0x10];
	_ =	sdelay $0x4  }
0x13c: {  	v0 =	vadd.f32 v1, v0;
	_ =	sdelay $0x1  }
0x13d: {  	[tilespmem:s1+$0x10] =	vst v0;
	v0 =	vld [tilespmem:s1+$0x20]  }
0x13e: {  	v1 =	vld [tilespmem:s10+$0x20];
	_ =	sdelay $0x4  }
0x13f: {  	v0 =	vadd.f32 v1, v0;
	_ =	sdelay $0x1  }
0x140: {  	[tilespmem:s1+$0x20] =	vst v0;
	v0 =	vld [tilespmem:s1+$0x30]  }
0x141: {  	v1 =	vld [tilespmem:s10+$0x30];
	_ =	sdelay $0x4  }
0x142: {  	v0 =	vadd.f32 v1, v0;
	_ =	sdelay $0x1  }
0x143: {  	[tilespmem:s1+$0x30] =	vst v0;
	v0 =	vld [tilespmem:s1+$0x40]  }
0x144: {  	v1 =	vld [tilespmem:s10+$0x40];
	_ =	sdelay $0x4  }
0x145: {  	v0 =	vadd.f32 v1, v0;
	_ =	sdelay $0x1  }
0x146: {  	[tilespmem:s1+$0x40] =	vst v0;
	v0 =	vld [tilespmem:s1+$0x50]  }
0x147: {  	v1 =	vld [tilespmem:s10+$0x50];
	_ =	sdelay $0x4  }
0x148: {  	v0 =	vadd.f32 v1, v0;
	_ =	sdelay $0x1  }
0x149: {  	[tilespmem:s1+$0x50] =	vst v0;
	v0 =	vld [tilespmem:s1+$0x60]  }
0x14a: {  	v1 =	vld [tilespmem:s10+$0x60];
	_ =	sdelay $0x4  }
0x14b: {  	v0 =	vadd.f32 v1, v0;
	_ =	sdelay $0x1  }
0x14c: {  	[tilespmem:s1+$0x60] =	vst v0;
	v0 =	vld [tilespmem:s1+$0x70]  }
0x14d: {  	v1 =	vld [tilespmem:s10+$0x70];
	_ =	sdelay $0x4  }
0x14e: {  	v0 =	vadd.f32 v1, v0;
	_ =	sdelay $0x1  }
0x14f: {  	[tilespmem:s1+$0x70] =	vst v0;
	v0 =	vld [tilespmem:s1+$0x80]  }
0x150: {  	v1 =	vld [tilespmem:s10+$0x80];
	_ =	sdelay $0x4  }
0x151: {  	v0 =	vadd.f32 v1, v0;
	_ =	sdelay $0x1  }
0x152: {  	[tilespmem:s1+$0x80] =	vst v0;
	v0 =	vld [tilespmem:s1+$0x90]  }
0x153: {  	v1 =	vld [tilespmem:s10+$0x90];
	_ =	sdelay $0x4  }
0x154: {  	v0 =	vadd.f32 v1, v0;
	_ =	sdelay $0x1  }
0x155: {  	[tilespmem:s1+$0x90] =	vst v0;
	v0 =	vld [tilespmem:s1+$0xA0]  }
0x156: {  	v1 =	vld [tilespmem:s10+$0xA0];
	_ =	sdelay $0x4  }
0x157: {  	v0 =	vadd.f32 v1, v0;
	_ =	sdelay $0x1  }
0x158: {  	[tilespmem:s1+$0xA0] =	vst v0;
	v0 =	vld [tilespmem:s1+$0xB0]  }
0x159: {  	v1 =	vld [tilespmem:s10+$0xB0];
	_ =	sdelay $0x4  }
0x15a: {  	v0 =	vadd.f32 v1, v0;
	_ =	sdelay $0x1  }
0x15b: {  	[tilespmem:s1+$0xB0] =	vst v0;
	v0 =	vld [tilespmem:s1+$0xC0]  }
0x15c: {  	v1 =	vld [tilespmem:s10+$0xC0];
	_ =	sdelay $0x4  }
0x15d: {  	v0 =	vadd.f32 v1, v0;
	_ =	sdelay $0x1  }
0x15e: {  	[tilespmem:s1+$0xC0] =	vst v0;
	v0 =	vld [tilespmem:s1+$0xD0]  }
0x15f: {  	v1 =	vld [tilespmem:s10+$0xD0];
	_ =	sdelay $0x4  }
0x160: {  	v0 =	vadd.f32 v1, v0;
	_ =	sdelay $0x1  }
0x161: {  	[tilespmem:s1+$0xD0] =	vst v0;
	v0 =	vld [tilespmem:s1+$0xE0]  }
0x162: {  	v1 =	vld [tilespmem:s10+$0xE0];
	_ =	sdelay $0x4  }
0x163: {  	v0 =	vadd.f32 v1, v0;
	_ =	sdelay $0x1  }
0x164: {  	[tilespmem:s1+$0xE0] =	vst v0;
	v0 =	vld [tilespmem:s1+$0xF0]  }
0x165: {  	v1 =	vld [tilespmem:s10+$0xF0];
	_ =	sdelay $0x4  }
0x166: {  	v0 =	vadd.f32 v1, v0  }
0x167: {  	s11 =	simm.s32 $0x0;
	s15 =	simm.s32 $0xE400  }
.LBB2_5:
0x168: {  	v1 =	vld [tilespmem:s15+$0xFFFFFF00];
	[tilespmem:s1+$0xF0] =	vst v0;
	s10 =	sadd.s32 $0x200, s10;
	s1 =	smov.u32 s15  }
0x169: {  	s11 =	sadd.s32 $0x8, s11;
	v0 =	vld [tilespmem:s10+$0xFFFFFF00]  }
0x16a: {  	p0 =	slt.u32 s11, $0x188;
	_ =	sdelay $0x3  }
0x16b: {  	v0 =	vadd.f32 v0, v1;
	_ =	sdelay $0x1  }
0x16c: {  	[tilespmem:s15+$0xFFFFFF00] =	vst v0;
	v0 =	vld [tilespmem:s15+$0xFFFFFF10]  }
0x16d: {  	v1 =	vld [tilespmem:s10+$0xFFFFFF10];
	_ =	sdelay $0x4  }
0x16e: {  	v0 =	vadd.f32 v1, v0;
	_ =	sdelay $0x1  }
0x16f: {  	[tilespmem:s15+$0xFFFFFF10] =	vst v0;
	v0 =	vld [tilespmem:s15+$0xFFFFFF20]  }
0x170: {  	v1 =	vld [tilespmem:s10+$0xFFFFFF20];
	_ =	sdelay $0x4  }
0x171: {  	v0 =	vadd.f32 v1, v0;
	_ =	sdelay $0x1  }
0x172: {  	[tilespmem:s15+$0xFFFFFF20] =	vst v0;
	v0 =	vld [tilespmem:s15+$0xFFFFFF30]  }
0x173: {  	v1 =	vld [tilespmem:s10+$0xFFFFFF30];
	_ =	sdelay $0x4  }
0x174: {  	v0 =	vadd.f32 v1, v0;
	_ =	sdelay $0x1  }
0x175: {  	[tilespmem:s15+$0xFFFFFF30] =	vst v0;
	v0 =	vld [tilespmem:s15+$0xFFFFFF40]  }
0x176: {  	v1 =	vld [tilespmem:s10+$0xFFFFFF40];
	_ =	sdelay $0x4  }
0x177: {  	v0 =	vadd.f32 v1, v0;
	_ =	sdelay $0x1  }
0x178: {  	[tilespmem:s15+$0xFFFFFF40] =	vst v0;
	v0 =	vld [tilespmem:s15+$0xFFFFFF50]  }
0x179: {  	v1 =	vld [tilespmem:s10+$0xFFFFFF50];
	_ =	sdelay $0x4  }
0x17a: {  	v0 =	vadd.f32 v1, v0;
	_ =	sdelay $0x1  }
0x17b: {  	[tilespmem:s15+$0xFFFFFF50] =	vst v0;
	v0 =	vld [tilespmem:s15+$0xFFFFFF60]  }
0x17c: {  	v1 =	vld [tilespmem:s10+$0xFFFFFF60];
	_ =	sdelay $0x4  }
0x17d: {  	v0 =	vadd.f32 v1, v0;
	_ =	sdelay $0x1  }
0x17e: {  	[tilespmem:s15+$0xFFFFFF60] =	vst v0;
	v0 =	vld [tilespmem:s15+$0xFFFFFF70]  }
0x17f: {  	v1 =	vld [tilespmem:s10+$0xFFFFFF70];
	_ =	sdelay $0x4  }
0x180: {  	v0 =	vadd.f32 v1, v0;
	_ =	sdelay $0x1  }
0x181: {  	[tilespmem:s15+$0xFFFFFF70] =	vst v0;
	v0 =	vld [tilespmem:s15+$0xFFFFFF80]  }
0x182: {  	v1 =	vld [tilespmem:s10+$0xFFFFFF80];
	_ =	sdelay $0x4  }
0x183: {  	v0 =	vadd.f32 v1, v0;
	_ =	sdelay $0x1  }
0x184: {  	[tilespmem:s15+$0xFFFFFF80] =	vst v0;
	v0 =	vld [tilespmem:s15+$0xFFFFFF90]  }
0x185: {  	v1 =	vld [tilespmem:s10+$0xFFFFFF90];
	_ =	sdelay $0x4  }
0x186: {  	v0 =	vadd.f32 v1, v0;
	_ =	sdelay $0x1  }
0x187: {  	[tilespmem:s15+$0xFFFFFF90] =	vst v0;
	v0 =	vld [tilespmem:s15+$0xFFFFFFA0]  }
0x188: {  	v1 =	vld [tilespmem:s10+$0xFFFFFFA0];
	_ =	sdelay $0x4  }
0x189: {  	v0 =	vadd.f32 v1, v0;
	_ =	sdelay $0x1  }
0x18a: {  	[tilespmem:s15+$0xFFFFFFA0] =	vst v0;
	v0 =	vld [tilespmem:s15+$0xFFFFFFB0]  }
0x18b: {  	v1 =	vld [tilespmem:s10+$0xFFFFFFB0];
	_ =	sdelay $0x4  }
0x18c: {  	v0 =	vadd.f32 v1, v0;
	_ =	sdelay $0x1  }
0x18d: {  	[tilespmem:s15+$0xFFFFFFB0] =	vst v0;
	v0 =	vld [tilespmem:s15+$0xFFFFFFC0]  }
0x18e: {  	v1 =	vld [tilespmem:s10+$0xFFFFFFC0];
	_ =	sdelay $0x4  }
0x18f: {  	v0 =	vadd.f32 v1, v0;
	_ =	sdelay $0x1  }
0x190: {  	[tilespmem:s15+$0xFFFFFFC0] =	vst v0;
	v0 =	vld [tilespmem:s15+$0xFFFFFFD0]  }
0x191: {  	v1 =	vld [tilespmem:s10+$0xFFFFFFD0];
	_ =	sdelay $0x4  }
0x192: {  	v0 =	vadd.f32 v1, v0;
	_ =	sdelay $0x1  }
0x193: {  	[tilespmem:s15+$0xFFFFFFD0] =	vst v0;
	v0 =	vld [tilespmem:s15+$0xFFFFFFE0]  }
0x194: {  	v1 =	vld [tilespmem:s10+$0xFFFFFFE0];
	_ =	sdelay $0x4  }
0x195: {  	v0 =	vadd.f32 v1, v0;
	_ =	sdelay $0x1  }
0x196: {  	[tilespmem:s15+$0xFFFFFFE0] =	vst v0;
	v0 =	vld [tilespmem:s15+$0xFFFFFFF0]  }
0x197: {  	v1 =	vld [tilespmem:s10+$0xFFFFFFF0];
	_ =	sdelay $0x4  }
0x198: {  	v0 =	vadd.f32 v1, v0;
	_ =	sdelay $0x1  }
0x199: {  	[tilespmem:s15+$0xFFFFFFF0] =	vst v0;
	v0 =	vld [tilespmem:s15+$0x0]  }
0x19a: {  	v1 =	vld [tilespmem:s10+$0x0];
	_ =	sdelay $0x4  }
0x19b: {  	v0 =	vadd.f32 v1, v0;
	_ =	sdelay $0x1  }
0x19c: {  	[tilespmem:s15+$0x0] =	vst v0;
	v0 =	vld [tilespmem:s15+$0x10]  }
0x19d: {  	v1 =	vld [tilespmem:s10+$0x10];
	_ =	sdelay $0x4  }
0x19e: {  	v0 =	vadd.f32 v1, v0;
	_ =	sdelay $0x1  }
0x19f: {  	[tilespmem:s15+$0x10] =	vst v0;
	v0 =	vld [tilespmem:s15+$0x20]  }
0x1a0: {  	v1 =	vld [tilespmem:s10+$0x20];
	_ =	sdelay $0x4  }
0x1a1: {  	v0 =	vadd.f32 v1, v0;
	_ =	sdelay $0x1  }
0x1a2: {  	[tilespmem:s15+$0x20] =	vst v0;
	v0 =	vld [tilespmem:s15+$0x30]  }
0x1a3: {  	v1 =	vld [tilespmem:s10+$0x30];
	_ =	sdelay $0x4  }
0x1a4: {  	v0 =	vadd.f32 v1, v0;
	_ =	sdelay $0x1  }
0x1a5: {  	[tilespmem:s15+$0x30] =	vst v0;
	v0 =	vld [tilespmem:s15+$0x40]  }
0x1a6: {  	v1 =	vld [tilespmem:s10+$0x40];
	_ =	sdelay $0x4  }
0x1a7: {  	v0 =	vadd.f32 v1, v0;
	_ =	sdelay $0x1  }
0x1a8: {  	[tilespmem:s15+$0x40] =	vst v0;
	v0 =	vld [tilespmem:s15+$0x50]  }
0x1a9: {  	v1 =	vld [tilespmem:s10+$0x50];
	_ =	sdelay $0x4  }
0x1aa: {  	v0 =	vadd.f32 v1, v0;
	_ =	sdelay $0x1  }
0x1ab: {  	[tilespmem:s15+$0x50] =	vst v0;
	v0 =	vld [tilespmem:s15+$0x60]  }
0x1ac: {  	v1 =	vld [tilespmem:s10+$0x60];
	_ =	sdelay $0x4  }
0x1ad: {  	v0 =	vadd.f32 v1, v0;
	_ =	sdelay $0x1  }
0x1ae: {  	[tilespmem:s15+$0x60] =	vst v0;
	v0 =	vld [tilespmem:s15+$0x70]  }
0x1af: {  	v1 =	vld [tilespmem:s10+$0x70];
	_ =	sdelay $0x4  }
0x1b0: {  	v0 =	vadd.f32 v1, v0;
	_ =	sdelay $0x1  }
0x1b1: {  	[tilespmem:s15+$0x70] =	vst v0;
	v0 =	vld [tilespmem:s15+$0x80]  }
0x1b2: {  	v1 =	vld [tilespmem:s10+$0x80];
	_ =	sdelay $0x4  }
0x1b3: {  	v0 =	vadd.f32 v1, v0;
	_ =	sdelay $0x1  }
0x1b4: {  	[tilespmem:s15+$0x80] =	vst v0;
	v0 =	vld [tilespmem:s15+$0x90]  }
0x1b5: {  	v1 =	vld [tilespmem:s10+$0x90];
	_ =	sdelay $0x4  }
0x1b6: {  	v0 =	vadd.f32 v1, v0;
	_ =	sdelay $0x1  }
0x1b7: {  	[tilespmem:s15+$0x90] =	vst v0;
	v0 =	vld [tilespmem:s15+$0xA0]  }
0x1b8: {  	v1 =	vld [tilespmem:s10+$0xA0];
	_ =	sdelay $0x4  }
0x1b9: {  	v0 =	vadd.f32 v1, v0;
	_ =	sdelay $0x1  }
0x1ba: {  	[tilespmem:s15+$0xA0] =	vst v0;
	v0 =	vld [tilespmem:s15+$0xB0]  }
0x1bb: {  	v1 =	vld [tilespmem:s10+$0xB0];
	_ =	sdelay $0x4  }
0x1bc: {  	v0 =	vadd.f32 v1, v0;
	_ =	sdelay $0x1  }
0x1bd: {  	[tilespmem:s15+$0xB0] =	vst v0;
	v0 =	vld [tilespmem:s15+$0xC0]  }
0x1be: {  	v1 =	vld [tilespmem:s10+$0xC0];
	_ =	sdelay $0x4  }
0x1bf: {  	v0 =	vadd.f32 v1, v0;
	_ =	sdelay $0x1  }
0x1c0: {  	[tilespmem:s15+$0xC0] =	vst v0;
	v0 =	vld [tilespmem:s15+$0xD0]  }
0x1c1: {  	v1 =	vld [tilespmem:s10+$0xD0];
	_ =	sdelay $0x4  }
0x1c2: {  	v0 =	vadd.f32 v1, v0;
	_ =	sdelay $0x1  }
0x1c3: {  	[tilespmem:s15+$0xD0] =	vst v0;
	v0 =	vld [tilespmem:s15+$0xE0]  }
0x1c4: {  	v1 =	vld [tilespmem:s10+$0xE0];
	_ =	sdelay $0x4  }
0x1c5: {  	v0 =	vadd.f32 v1, v0;
	_ =	sdelay $0x1  }
0x1c6: {  	[tilespmem:s15+$0xE0] =	vst v0;
	v0 =	vld [tilespmem:s15+$0xF0]  }
0x1c7: {  	v1 =	vld [tilespmem:s10+$0xF0];
	_ =	sdelay $0x1  }
.Ltmp1:
0x1c8: {  	(pc) =	sbr.rel @p0 .LBB2_5-.Ltmp1, $3  }
0x1c9: {  	_ =	sdelay $0x1  }
0x1ca: {  	v0 =	vadd.f32 v1, v0  }
0x1cb: {  	s15 =	sadd.s32 $0x200, s15  }
0x1cc: {  	s31 =	sadd.s32 $0x1, s31  }
0x1cd: {  	p0 =	sne.s32 s31, $0x8  }
.Ltmp2:
0x1ce: {  	s0 =	sadd.s32 s6, s0;
	(pc) =	sbr.rel @p0 .LBB2_2-.Ltmp2, $4  }
0x1cf: {  	s0 =	sshll.u32 s0, $0x4  }
0x1d0: {  	s0 =	sand.u32 $0x1FFFFF00, s0  }
0x1d1: {  	[tilespmem:s1+$0xF0] =	vst v0;
	s0 =	sadd.s32 s5, s0  }
0x1d2: {  	[hbm4b:s0+s25] =	stream.strided.scatter [tilespmem:s20], [sflag:$0x4], $0x6400, s12, s25, $0x38;
	[tilespmem:$0x14500] =	vst v63  }
0x1d3: {  	s30 =	sadd.s32 $0x1, s30  }
0x1d4: {  	p0 =	sne.s32 s30, s8  }
.Ltmp3:
0x1d5: {  	_ = 	snop;
	(pc) =	sbr.rel @p0 .LBB2_1-.Ltmp3, $4  }
0x1d6: {  	_ = 	snop  }
0x1d7: {  	_ =	swait.ge [sflag:s29], $0x6400  }
0x1d8: {  	[sflag:s29] =	ssyncset.done $0x0  }
0x1d9: {  	[sflag:s29] =	ssyncadd.s32 $0xFFFF9C00  }
0x1da: {  	_ =	sfence.sel $0x180000  }
0x1db: {  	[bflag:$0x0] =	sbarrier.arrive $0xFFFF  }
0x1dc: {  	_ =	strace $0x90000047  }
0x1dd: {  	s0 =	stileid.u32;
	[bflag:$0x2] =	sbarrier.arrive $0xFFFF  }
0x1de: {  	p0 =	sne.s32 s0, $0x0;
	s0 =	rddreg [dreg:$0x2]  }
0x1df: {  	s0 =	sadd.s32 @!p0 $0x100000, s0  }
0x1e0: {  	[sflag:s0] =	ssyncadd.tile.s32 @!p0 $0x1;
	_ =	shalt  }
.Lfunc_end2:
_tile_overlayer_lowered:
.L_overlay_start_2:
0x1e1: {  	(tag) =	ssettag $0x2  }
0x1e2: {  	s0 =	rddreg [dreg:$0x0];
	s2 =	stileid.u32  }
0x1e3: {  	s1 =	rddreg [dreg:$0x1];
	p0 =	sne.s32 s2, $0x0  }
0x1e4: {  	s3 =	rddreg [dreg:$0x2];
	[bflag:$0x3] =	sbarrier.arrive $0xFFFF;
	s2 =	simm.s32 @!p0 $0x1C05  }
0x1e5: {  	[timem:s3], [sflag:s2] =	dma.local @!p0 [hbm:s0], s1  }
0x1e6: {  	s0 =	simm.s32 @!p0 $0x5  }
0x1e7: {  	_ =	swait.ge @!p0 [sflag:s0], s1  }
0x1e8: {  	s1 =	ssub.s32 @!p0 $0x0, s1;
	[sflag:s0] =	ssyncset.done @!p0 $0x0  }
0x1e9: {  	[sflag:s0] =	ssyncadd.s32 @!p0 s1  }
0x1ea: {  	[bflag:$0x3] =	sbarrier.arrive $0xFFFF  }
0x1eb: {  	_ =	shalt  }

// kernel: sparse-core-data-format-call.cloned.1.call-start
scs
called_computation_lowered:
.L_overlay_start_0:
0x0: {  	s2 =	sld [smem:$0x3FD9]  }
0x1: {  	s3 =	sld [smem:$0x3FFE];
	_ =	sdelay $0x1  }
0x2: {  	s1 =	srdreg.scid  }
0x3: {  	s0 =	sand.u32 $0x1, s1  }
0x4: {  	s18 =	sshll.u32 s0, $0xA;
	s2 =	sadd.s32 s3, s2  }
0x5: {  	s2 =	sadd.s32 s2, s18  }
0x6: {  	[smem:$0x3FC5] =	sst s2  }
0x7: {  	_ = 	snop  }
0x8: {  	s2 =	sld [smem:$0x3FD0];
	(tm) =	ssettm $0x1  }
0x9: {  	s19 =	sld [smem:$0x3FFB];
	_ =	sdelay $0x3  }
0xa: {  	_ =	strace s19  }
0xb: {  	s3 =	sld [smem:$0x3FFC];
	_ =	sdelay $0x3  }
0xc: {  	_ =	strace s3  }
0xd: {  	s3 =	sld [smem:$0x3FFD];
	_ =	sdelay $0x3  }
0xe: {  	_ =	strace s3  }
0xf: {  	_ =	strace $0x8FFFFFFF  }
0x10: {  	s20 =	sld [smem:$0x3FDB];
	_ =	sdelay $0x1  }
0x11: {  	s4 =	simm.s32 $_scs_section_size  }
0x12: {  	s5 =	simm.s32 $_size__tile_overlayer_lowered;
	s6 =	simm.s32 $_tile_overlayer_lowered  }
0x13: {  	s23 =	simm.s32 $0x1BFF;
	s22 =	sshll.u32 s6, $0x1;
	s3 =	sadd.s32 s4, s20  }
0x14: {  	s7 =	simm.s32 $0x0;
	s21 =	sshll.u32 s5, $0x1;
	s5 =	sadd.s32 s22, s3  }
0x15: {  	[timem:s7], [sflag:s23] =	dma.local [hbm:s5], s21  }
0x16: {  	_ =	swait.ge [sflag:s23], s21  }
0x17: {  	s4 =	ssub.s32 $0x0, s21;
	[sflag:s23] =	ssyncset.done $0x0  }
0x18: {  	[sflag:s23] =	ssyncadd.s32 s4;
	_ =	sdelay $0x1  }
0x19: {  	s24 =	simm.s32 $0x1B8B  }
0x1a: {  	_ =	swait.ge [sflag:s24], $0x1  }
0x1b: {  	[sflag:s24] =	ssyncset.done $0x0  }
0x1c: {  	s26 =	simm.s32 $0x1B8E;
	s25 =	sld [smem:$0x3FFE];
	[sflag:s24] =	ssyncadd.s32 $0xFFFFFFFF  }
0x1d: {  	s27 =	simm.s32 $execute0_lowered;
	[smem:$0x3FD2] =	sst s26  }
0x1e: {  	s5 =	sshll.u32 s27, $0x1;
	_ =	strace $0x80000049;
	[dreg:$0x1] =	wrdreg $0xFFFFFFFF  }
0x1f: {  	s28 =	simm.s32 $_size_execute0_lowered;
	s3 =	sadd.s32 s3, s5;
	[dreg:$0x0] =	wrdreg $0x0  }
0x20: {  	s5 =	sshll.u32 s28, $0x1;
	[dreg:$0x2] =	wrdreg s3  }
0x21: {  	[dreg:$0x3] =	wrdreg s5  }
0x22: {  	[dreg:$0x4] =	wrdreg $0xC0  }
0x23: {  	_ =	task [dreg:s7], $0x5FFFF  }
0x24: {  	[dreg:$0x1] =	wrdreg $0xFFFFFFFF  }
0x25: {  	[dreg:$0x0] =	wrdreg $0x60  }
0x26: {  	[dreg:$0x2] =	wrdreg s25  }
0x27: {  	[dreg:$0x3] =	wrdreg s2  }
0x28: {  	[dreg:$0x4] =	wrdreg $0x9  }
0x29: {  	_ =	task.clear_ibuf [dreg:s7], $0x5FFFF;
	_ =	strace $0x90000049  }
0x2a: {  	s29 =	simm.s32 $0x9;
	_ =	strace $0x8000004B  }
0x2b: {  	_ =	swait.ge [sflag:s29], $0x1  }
0x2c: {  	[sflag:s29] =	ssyncadd.s32 $0xFFFFFFFF  }
0x2d: {  	_ =	strace $0x9000004B  }
0x2e: {  	_ =	sfence  }
0x2f: {  	s30 =	sld [smem:$0x0];
	_ =	sdelay $0x2  }
0x30: {  	s31 =	sshll.u32 s1, $0xD;
	s1 =	sshrl.u32 s1, $0x2  }
0x31: {  	s3 =	sand.u32 $0x4000, s31;
	s1 =	sadd.s32 s1, s30  }
0x32: {  	s0 =	sor.u32 s3, s0;
	s1 =	sshll.u32 s1, $0x11  }
0x33: {  	s0 =	sor.u32 s1, s0  }
0x34: {  	s0 =	sadd.s32 $0x8F2B, s0  }
0x35: {  	[sflag:s0] =	ssyncadd.remote.s32 $0x1  }
0x36: {  	_ =	sfence.sel $0xFFFF  }
0x37: {  	[dreg:$0x0] =	wrdreg $0xFFFFFFFF;
	(pc) =	sbr.abs _section_cstart, $3  }
0x38: {  	[dreg:$0x1] =	wrdreg $0xFFFFFFFF  }
0x39: {  	_ =	task.clear_ibuf [dreg:s7], $0x2FFFF;
	_ =	strace $0x9FFFFFFF  }
0x3a: {  	(tm) =	ssettm $0x7FFFFFFF  }
0x3b: {  	_ =	shalt  }
tec
execute0_lowered:
.L_overlay_start_1:
0x0: {  	(tag) =	ssettag $0x1  }
0x1: {  	s0 =	stileid.u32;
	s6 =	rddreg [dreg:$0x0]  }
0x2: {  	s2 =	rddreg [dreg:$0x1];
	s5 =	srdreg.scid  }
0x3: {  	s31 =	simm.s32 $0x2;
	s13 =	simm.s32 $0x0;
	s1 =	sshll.u32 s0, $0x7  }
0x4: {  	s14 =	simm.s32 $0x0;
	s12 =	simm.s32 $0x0;
	s3 =	sand.u32 $0x380, s1  }
0x5: {  	s5 =	sshll.u32 s5, $0x4;
	s6 =	sadd.s32 $0x7C1000, s6;
	s4 =	ssub.s32 $0x400, s3  }
0x6: {  	s1 =	rddreg [dreg:$0x2];
	_ =	strace $0x8000004A;
	s7 =	sand.u32 $0x380, s4  }
0x7: {  	s5 =	sand.u32 $0x10, s5;
	p0 =	sne.s32 s7, $0x0;
	s7 =	simm.s32 $0x1  }
.Ltmp0:
0x8: {  	s8 =	sshrl.u32 s4, $0xA;
	s7 =	simm.s32 @!p0 $0x0;
	(pc) =	sbr.rel .LBB1_1-.Ltmp0, $4  }
0x9: {  	s9 =	sor.u32 s0, s5;
	s4 =	simm.s32 $0x1;
	s30 =	sadd.s32 s7, s8  }
0xa: {  	s11 =	smov.u32 s3;
	[sflag:s4] =	ssyncpa.u1 $0x0;
	s5 =	smul.u32 $0x32, s30  }
0xb: {  	[sflag:s31] =	ssyncpa.u1 $0x0;
	p0 =	por $0x0, $0x0;
	s7 =	sshrl.u32 s9, $0x3  }
0xc: {  	s9 =	simm.s32 $0x2000;
	s10 =	smov.u32 s7;
	s8 =	sor.u32 $0x1, s5  }
.LBB1_4:
0xd: {  	s17 =	sand.u32 $0x1F80, s14;
	s13 =	sshll.u32 s13, $0xD  }
0xe: {  	[tilespmem:s16+$0x810 ss:$0x81] =	vst.msk $0xffff, v2;
	s18 =	sshrl.u32 s14, $0x3;
	s31 =	sand.u32 $0x7, s14;
	s17 =	sadd.s32 s2, s17  }
0xf: {  	[tilespmem:s16+$0x1020 ss:$0x81] =	vst.msk $0xffff, v0;
	s18 =	sand.u32 $0xF, s18;
	s14 =	sshll.u32 s31, $0x12;
	s13 =	sadd.s32 s13, s17  }
0x10: {  	[tilespmem:s16+$0x0 ss:$0x81] =	vst.msk $0xffff, v1;
	s14 =	sor.u32 $0x400, s14;
	s13 =	sadd.s32 s18, s13  }
0x11: {  	[hbm4b:s13+s14] =	stream.strided.scatter [tilespmem:s15], [sflag:$0x2], $0x2000, s9, s14, $0x20;
	[tilespmem:$0x8080] =	vst v63  }
.LBB1_5:
0x12: {  	s15 =	sadd.s32 $0x4, s10  }
0x13: {  	s13 =	sadd.s32 $0x400, s11;
	s17 =	smov.u32 s11;
	p2 =	sgt.s32 s15, $0xC7  }
0x14: {  	s17 =	smov.u32 @p2 s13  }
0x15: {  	s15 =	smov.u32 @p2 s7;
	p2 =	sgt.s32 s17, $0x3FF  }
0x16: {  	s17 =	smov.u32 @p2 s3;
	p2 =	sne.s32 s12, s8  }
.Ltmp1:
0x17: {  	p1 =	slt.u32 s12, $0x2;
	(pc) =	sbr.rel @!p2 .LBB1_6-.Ltmp1, $4  }
0x18: {  	s16 =	simm.s32 @!p1 $0x2  }
0x19: {  	s14 =	smov.u32 s11;
	p0 =	por !p0, !p0;
	_ =	swait.ge @!p1 [sflag:s16], $0x2000  }
0x1a: {  	s13 =	smov.u32 s10;
	[sflag:s16] =	ssyncset.done @!p1 $0x0;
	s10 =	smov.u32 s15  }
0x1b: {  	s12 =	sadd.s32 $0x1, s12;
	[sflag:s16] =	ssyncadd.s32 @!p1 $0xFFFFE000;
	s11 =	smov.u32 s17  }
.LBB1_1:
0x1c: {  	p1 =	sge.u32 s12, s5  }
0x1d: {  	s15 =	sand.u32 @!p1 $0x1FFFFFF, s10  }
0x1e: {  	s16 =	smulhi.u32 @!p1 $0x147AE15, s15;
	_ =	sdelay $0x1  }
0x1f: {  	s16 =	smul.u32 @!p1 $0xC8, s16  }
0x20: {  	s17 =	sxor.u32 @!p1 $0xFFFFFFFF, s12;
	s18 =	smul.u32 @!p1 $0xC80, s11  }
0x21: {  	s31 =	sadd.s32 $0xFFFFFFFF, s12;
	s17 =	sshll.u32 @!p1 s17, $0xD;
	s15 =	ssub.s32 @!p1 s15, s16  }
0x22: {  	s16 =	sand.u32 @!p1 $0x2000, s17;
	s17 =	sadd.s32 @!p1 s6, s18;
	s15 =	sshll.u32 @!p1 s15, $0x4  }
0x23: {  	s18 =	simm.s32 @!p1 $0x6400;
	s15 =	sadd.s32 @!p1 s15, s17;
	s17 =	simm.s32 @!p1 $0x40  }
0x24: {  	[tilespmem:s16], [sflag:$0x1] =	stream.strided.gather @!p1 [hbm4b:s15+s17], $0x2000, s18, s17, $0x38;
	[tilespmem:$0x8080] =	vst v63  }
0x25: {  	p1 =	sge.u32 s31, s5  }
.Ltmp2:
0x26: {  	_ = 	snop;
	(pc) =	sbr.rel @p1 .LBB1_5-.Ltmp2, $1  }
0x27: {  	_ =	sdelay $0x3  }
0x28: {  	s15 =	simm.s32 $0x1  }
0x29: {  	_ =	swait.ge [sflag:s4], $0x2000;
	s15 =	simm.s32 @!p0 $0x0  }
0x2a: {  	[sflag:s4] =	ssyncset.done $0x0;
	s16 =	sshll.u32 s15, $0xD  }
0x2b: {  	[sflag:s4] =	ssyncadd.s32 $0xFFFFE000;
	s19 =	sor.u32 $0x20, s16  }
0x2c: {  	s15 =	smul.u32 $0x8100, s15;
	v3 =	vld [tilespmem:s19+$0x10]  }
0x2d: {  	s30 =	sand.u32 $0x1, s12;
	v2 =	vld [tilespmem:s19+$0xFFFFFFF0]  }
0x2e: {  	s16 =	smul.u32 $0x8100, s30;
	s15 =	sshrl.u32 s15, $0x2;
	v0 =	vld [tilespmem:s19+$0x0]  }
0x2f: {  	v1 =	vld [tilespmem:s19+$0xFFFFFFE0];
	s17 =	sor.u32 $0x4000, s15  }
0x30: {  	s31 =	sshrl.u32 s16, $0x2;
	s16 =	sadd.s32 $0x0, s17  }
0x31: {  	s18 =	simm.s32 $0x4;
	s19 =	sadd.s32 $0x40, s19;
	s15 =	sor.u32 $0x4000, s31;
	[tilespmem:s16+$0x1830 ss:$0x81] =	vst.msk $0xffff, v3  }
.LBB1_3:
0x32: {  	v3 =	vld [tilespmem:s19+$0x10];
	p1 =	sne.s32 s18, $0x1FC;
	[tilespmem:s16+$0x810 ss:$0x81] =	vst.msk $0xffff, v2;
	s20 =	smov.u32 s18;
	s18 =	sadd.s32 $0x4, s18  }
.Ltmp3:
0x33: {  	v2 =	vld [tilespmem:s19+$0xFFFFFFF0];
	[tilespmem:s16+$0x1020 ss:$0x81] =	vst.msk $0xffff, v0;
	(pc) =	sbr.rel @p1 .LBB1_3-.Ltmp3, $4  }
0x34: {  	v0 =	vld [tilespmem:s19+$0x0];
	[tilespmem:s16+$0x0 ss:$0x81] =	vst.msk $0xffff, v1  }
0x35: {  	s16 =	sshra.s32 s20, $0x2;
	v1 =	vld [tilespmem:s19+$0xFFFFFFE0]  }
0x36: {  	s16 =	sadd.s32 s16, s17  }
0x37: {  	s19 =	sadd.s32 $0x40, s19;
	[tilespmem:s16+$0x1830 ss:$0x81] =	vst.msk $0xffff, v3  }
.Ltmp4:
0x38: {  	_ = 	snop;
	(pc) =	sbr.rel .LBB1_4-.Ltmp4, $1  }
0x39: {  	_ =	sdelay $0x3  }
.LBB1_6:
0x3a: {  	_ =	sfence.sel $0x180000  }
0x3b: {  	s2 =	simm.s32 $0x1;
	[bflag:$0x0] =	sbarrier.arrive $0xFFFF  }
0x3c: {  	s31 =	simm.s32 $0x2;
	[sflag:s2] =	ssyncpa.u1 $0x1  }
0x3d: {  	[sflag:s31] =	ssyncpa.u1 $0x1  }
0x3e: {  	p0 =	sne.s32 s0, $0x0;
	_ =	strace $0x9000004A  }
0x3f: {  	s0 =	sadd.s32 @!p0 $0x100000, s1;
	[bflag:$0x2] =	sbarrier.arrive $0xFFFF  }
0x40: {  	[sflag:s0] =	ssyncadd.tile.s32 @!p0 $0x1;
	_ =	shalt  }
.Lfunc_end1:
_tile_overlayer_lowered:
.L_overlay_start_2:
0x41: {  	(tag) =	ssettag $0x2  }
0x42: {  	s0 =	rddreg [dreg:$0x0];
	s2 =	stileid.u32  }
0x43: {  	s1 =	rddreg [dreg:$0x1];
	p0 =	sne.s32 s2, $0x0  }
0x44: {  	s3 =	rddreg [dreg:$0x2];
	[bflag:$0x3] =	sbarrier.arrive $0xFFFF;
	s2 =	simm.s32 @!p0 $0x1C01  }
0x45: {  	[timem:s3], [sflag:s2] =	dma.local @!p0 [hbm:s0], s1  }
0x46: {  	s0 =	simm.s32 @!p0 $0x1  }
0x47: {  	_ =	swait.ge @!p0 [sflag:s0], s1  }
0x48: {  	s1 =	ssub.s32 @!p0 $0x0, s1;
	[sflag:s0] =	ssyncset.done @!p0 $0x0  }
0x49: {  	[sflag:s0] =	ssyncadd.s32 @!p0 s1  }
0x4a: {  	[bflag:$0x3] =	sbarrier.arrive $0xFFFF  }
0x4b: {  	_ =	shalt  }

</sc_bundles>
